<compile_context>
chip_gen: v7x
topology: tpu7x:2x2x1
jax: 0.10.2.dev20260603
libtpu: 0.0.44.dev20260713+nightly
codegen_flags: <defaults>
</compile_context>

<pallas_src>
import jax
import jax.numpy as jnp
from jax import lax
from jax.experimental import pallas as pl
from jax.experimental.pallas import tpu as pltpu
from jax.experimental.pallas import tpu_sc as plsc

N = 10000
E = 320000
D = 128
NC = 2
NS = 16
NW = NC * NS
CHUNK = 128
CPW0 = 128
CPW1 = 32
CG = 32
NG0 = CPW0 // CG
NG1 = CPW1 // CG
E_PAD = NS * (CPW0 + CPW1) * CHUNK
N_ACC = N + 112
RPT = N_ACC // NS
BLK = 1000
NB = N // BLK

_MESH = plsc.VectorSubcoreMesh(core_axis_name="c", subcore_axis_name="s")


HA = 80
HBE = 8000
HNB = E // HBE


def _hist_body(cols_ref, hist_ref):
    i = pl.program_id(0)

    @pl.when(i == 0)
    def _():
        hist_ref[...] = jnp.zeros((HA, 128), jnp.float32)

    contrib = jnp.zeros((HA, 128), jnp.float32)
    for r in range(HBE // 1000):
        colr = cols_ref[r, :]
        a = lax.shift_right_logical(colr, 7)
        b = lax.bitwise_and(colr, 127)
        oa = (a[:, None] == lax.broadcasted_iota(jnp.int32, (1000, HA), 1)
              ).astype(jnp.bfloat16)
        ob = (b[:, None] == lax.broadcasted_iota(jnp.int32, (1000, 128), 1)
              ).astype(jnp.bfloat16)
        contrib += lax.dot_general(oa, ob, (((0,), (0,)), ((), ())),
                                   preferred_element_type=jnp.float32)
    hist_ref[...] += contrib


def _hist(cols2):
    return pl.pallas_call(
        _hist_body,
        grid=(HNB,),
        in_specs=[pl.BlockSpec((HBE // 1000, 1000), lambda i: (i, 0))],
        out_specs=pl.BlockSpec((HA, 128), lambda i: (0, 0)),
        out_shape=jax.ShapeDtypeStruct((HA, 128), jnp.float32),
    )(cols2)


def _prop_body(row_hbm, col_hbm, y_hbm, accs_hbm,
               ridx_v, cidx_v, rows_v, acc_sh, sem0, sem1):
    c = lax.axis_index("c")
    s = lax.axis_index("s")
    wid = s * NC + c

    def fill_zero(i, carry):
        for l in range(D // 16):
            rows_v[0, i, pl.ds(l * 16, 16)] = jnp.zeros((16,), jnp.float32)
        return carry

    lax.fori_loop(0, CHUNK, fill_zero, 0)
    base = s * RPT
    for k in range(RPT // CHUNK):
        pltpu.sync_copy(rows_v.at[0],
                        acc_sh.at[pl.ds(base + k * CHUNK, CHUNK)])
    rem = RPT % CHUNK
    if rem:
        pltpu.sync_copy(rows_v.at[0, pl.ds(0, rem), :],
                        acc_sh.at[pl.ds(base + RPT - rem, rem)])
    plsc.subcore_barrier()

    n_groups = jnp.where(c == 0, NG0, NG1)

    def group(g, gcarry):
        pltpu.sync_copy(row_hbm.at[wid, pl.ds(g * CG, CG)], ridx_v)
        pltpu.sync_copy(col_hbm.at[wid, pl.ds(g * CG, CG)], cidx_v)
        pltpu.async_copy(y_hbm.at[ridx_v.at[0]], rows_v.at[0], sem0)
        pltpu.async_copy(y_hbm.at[ridx_v.at[1]], rows_v.at[1], sem1)

        def step(i, carry):
            j0 = 2 * i
            pltpu.make_async_copy(y_hbm.at[ridx_v.at[j0]], rows_v.at[0],
                                  sem0).wait()
            pltpu.sync_copy(rows_v.at[0], acc_sh.at[cidx_v.at[j0]], add=True)

            @pl.when(j0 + 2 < CG)
            def _():
                pltpu.async_copy(y_hbm.at[ridx_v.at[j0 + 2]], rows_v.at[0],
                                 sem0)

            pltpu.make_async_copy(y_hbm.at[ridx_v.at[j0 + 1]], rows_v.at[1],
                                  sem1).wait()
            pltpu.sync_copy(rows_v.at[1], acc_sh.at[cidx_v.at[j0 + 1]],
                            add=True)

            @pl.when(j0 + 3 < CG)
            def _():
                pltpu.async_copy(y_hbm.at[ridx_v.at[j0 + 3]], rows_v.at[1],
                                 sem1)

            return carry

        lax.fori_loop(0, CG // 2, step, 0)
        return gcarry

    lax.fori_loop(0, n_groups, group, 0)

    plsc.subcore_barrier()
    for k in range(RPT // CHUNK):
        pltpu.sync_copy(acc_sh.at[pl.ds(base + k * CHUNK, CHUNK)],
                        rows_v.at[0])
        pltpu.sync_copy(rows_v.at[0],
                        accs_hbm.at[c, pl.ds(base + k * CHUNK, CHUNK)])
    if rem:
        pltpu.sync_copy(acc_sh.at[pl.ds(base + RPT - rem, rem)],
                        rows_v.at[0, pl.ds(0, rem), :])
        pltpu.sync_copy(rows_v.at[0, pl.ds(0, rem), :],
                        accs_hbm.at[c, pl.ds(base + RPT - rem, rem)])


_prop_kernel = pl.kernel(
    _prop_body,
    out_type=jax.ShapeDtypeStruct((NC, N_ACC, D), jnp.float32),
    mesh=_MESH,
    scratch_types=[
        pltpu.VMEM((CG, CHUNK), jnp.int32),
        pltpu.VMEM((CG, CHUNK), jnp.int32),
        pltpu.VMEM((2, CHUNK, D), jnp.float32),
        pltpu.VMEM_SHARED((N_ACC, D), jnp.float32),
        pltpu.SemaphoreType.DMA,
        pltpu.SemaphoreType.DMA,
    ],
)


def _dense_body(x0_ref, wih_ref, whh_ref, bih_ref, bhh_ref, x_ref, hist_ref,
                y_ref, dis_ref, w_scr):
    i = pl.program_id(0)

    @pl.when(i == 0)
    def _():
        x0 = x0_ref[...]
        dn = (((1,), (1,)), ((), ()))
        gi = lax.dot_general(x0, wih_ref[...], dn,
                             preferred_element_type=jnp.float32)
        gi = gi + bih_ref[...]
        gh = lax.dot_general(x0, whh_ref[...], dn,
                             preferred_element_type=jnp.float32)
        gh = gh + bhh_ref[...]
        r = jax.nn.sigmoid(gi[:, 0:D] + gh[:, 0:D])
        z = jax.nn.sigmoid(gi[:, D:2 * D] + gh[:, D:2 * D])
        n = jnp.tanh(gi[:, 2 * D:3 * D] + r * gh[:, 2 * D:3 * D])
        w_scr[...] = (1.0 - z) * n + z * x0

    deg = hist_ref[0, 0, :] + 1.0
    dis = lax.rsqrt(deg)
    xw = jnp.dot(x_ref[...], w_scr[...], preferred_element_type=jnp.float32)
    y_ref[...] = dis[:, None] * xw
    dis_ref[...] = dis[:, None]


def _dense(x0, w_ih, w_hh, b_ih, b_hh, x, hist3):
    def full(shape):
        return pl.BlockSpec(shape, lambda i: tuple(0 for _ in shape))

    return pl.pallas_call(
        _dense_body,
        grid=(NB,),
        in_specs=[
            full((D, D)),
            full((3 * D, D)),
            full((3 * D, D)),
            full((1, 3 * D)),
            full((1, 3 * D)),
            pl.BlockSpec((BLK, D), lambda i: (i, 0)),
            pl.BlockSpec((1, 1, BLK), lambda i: (i, 0, 0)),
        ],
        out_specs=[
            pl.BlockSpec((BLK, D), lambda i: (i, 0)),
            pl.BlockSpec((BLK, 1), lambda i: (i, 0)),
        ],
        out_shape=[
            jax.ShapeDtypeStruct((N, D), jnp.float32),
            jax.ShapeDtypeStruct((N, 1), jnp.float32),
        ],
        scratch_shapes=[pltpu.VMEM((D, D), jnp.float32)],
    )(x0, w_ih, w_hh, b_ih, b_hh, x, hist3)


def _final_body(accs_ref, y_ref, dis_ref, o_ref):
    dis = dis_ref[...]
    o_ref[...] = dis * (accs_ref[0] + accs_ref[1] + y_ref[...])


def _final(accs, y, dis2):
    return pl.pallas_call(
        _final_body,
        grid=(NB,),
        in_specs=[
            pl.BlockSpec((NC, BLK, D), lambda i: (0, i, 0)),
            pl.BlockSpec((BLK, D), lambda i: (i, 0)),
            pl.BlockSpec((BLK, 1), lambda i: (i, 0)),
        ],
        out_specs=pl.BlockSpec((BLK, D), lambda i: (i, 0)),
        out_shape=jax.ShapeDtypeStruct((N, D), jnp.float32),
    )(accs, y, dis2)


def kernel(edge_index, X, initial_weight, W_ih, W_hh, b_ih, b_hh):
    row = edge_index[0]
    col = edge_index[1]
    pad = E_PAD - E
    E0 = NS * CPW0 * CHUNK

    def split(v, pad_val):
        v0 = v[:E0].reshape(NS, CPW0, CHUNK)
        v1 = jnp.concatenate(
            [v[E0:], jnp.full((pad,), pad_val, v.dtype)]).reshape(
                NS, CPW1, CHUNK)
        v1 = jnp.concatenate(
            [v1, jnp.zeros((NS, CPW0 - CPW1, CHUNK), v.dtype)], axis=1)
        return jnp.stack([v0, v1], axis=1).reshape(NW, CPW0, CHUNK)

    row3 = split(row, 0)
    col3 = split(col, N)

    hist = _hist(col.reshape(HNB * (HBE // 1000), 1000))
    hist3 = hist.reshape(HA * 128)[:N].reshape(NB, 1, BLK)

    y, dis2 = _dense(initial_weight[0], W_ih, W_hh,
                     b_ih.reshape(1, 3 * D), b_hh.reshape(1, 3 * D), X, hist3)

    accs = _prop_kernel(row3, col3, y)
    return _final(accs, y, dis2)

# --- scband reference (transcript-rebuilt; emitter-appended) ---
"""Pipeline reference for scband-evolve-gcnoconv-47459388620813 (READ-ONLY COPY).

The authoritative reference and input builder live on the scoring server;
editing this copy changes nothing except your own understanding.
"""

import jax, jax.numpy as jnp
import numpy as np

N = 10000
E = 320000
D = 128


def setup_inputs(seed: int = 0) -> dict:
    key = jax.random.key(seed)
    ks = jax.random.split(key, 8)
    edge_index = jax.random.randint(ks[0], (2, E), 0, N, dtype=jnp.int32)
    X = jax.random.normal(ks[1], (N, D), dtype=jnp.float32)
    glorot_scale = float(np.sqrt(6.0 / (D + D)))
    initial_weight = jax.random.uniform(ks[2], (1, D, D), dtype=jnp.float32, minval=-glorot_scale, maxval=glorot_scale)
    gru_scale = float(1.0 / np.sqrt(D))
    W_ih = jax.random.uniform(ks[3], (3 * D, D), dtype=jnp.float32, minval=-gru_scale, maxval=gru_scale)
    W_hh = jax.random.uniform(ks[4], (3 * D, D), dtype=jnp.float32, minval=-gru_scale, maxval=gru_scale)
    b_ih = jax.random.uniform(ks[5], (3 * D,), dtype=jnp.float32, minval=-gru_scale, maxval=gru_scale)
    b_hh = jax.random.uniform(ks[6], (3 * D,), dtype=jnp.float32, minval=-gru_scale, maxval=gru_scale)
    return {"edge_index": edge_index, "X": X, "initial_weight": initial_weight, "W_ih": W_ih, "W_hh": W_hh, "b_ih": b_ih, "b_hh": b_hh}


def _gru_step(x, h, W_ih, W_hh, b_ih, b_hh):
    # PyTorch GRU gate ordering: [reset; update; new]
    gi = x @ W_ih.T + b_ih
    gh = h @ W_hh.T + b_hh
    i_r, i_z, i_n = jnp.split(gi, 3, axis=-1)
    h_r, h_z, h_n = jnp.split(gh, 3, axis=-1)
    r = jax.nn.sigmoid(i_r + h_r)
    z = jax.nn.sigmoid(i_z + h_z)
    n = jnp.tanh(i_n + r * h_n)
    return (1.0 - z) * n + z * h


def reference(edge_index, X, initial_weight, W_ih, W_hh, b_ih, b_hh):
    # 1) Evolve the GCN weight matrix with one GRU step (input = hidden = initial_weight)
    x0 = initial_weight[0]  # [D, D] treated as (batch=D, feat=D)
    W = _gru_step(x0, x0, W_ih, W_hh, b_ih, b_hh)  # [D, D]

    # 2) gcn_norm: add self-loops, symmetric normalization (improved=False)
    row = edge_index[0]
    col = edge_index[1]
    loop = jnp.arange(N, dtype=edge_index.dtype)
    row = jnp.concatenate([row, loop])
    col = jnp.concatenate([col, loop])
    ew = jnp.ones(row.shape[0], dtype=X.dtype)
    deg = jax.ops.segment_sum(ew, col, num_segments=N)
    deg_inv_sqrt = jnp.where(deg > 0, jax.lax.rsqrt(jnp.maximum(deg, 1e-12)), 0.0)
    norm = deg_inv_sqrt[row] * ew * deg_inv_sqrt[col]

    # 3) X @ W then propagate (gather from src, weighted, scatter-add at dst)
    xw = X @ W
    msg = norm[:, None] * xw[row]
    out = jax.ops.segment_sum(msg, col, num_segments=N)
    return out

if __name__ == "__main__":
    import jax
    _d = setup_inputs()
    print(jax.jit(kernel)(*tuple(_d.values())))

</pallas_src>

<mosaic_0001>
#map = affine_map<(d0, d1) -> (0, 0, 0)>
#map1 = affine_map<(d0, d1) -> (0, 0)>
module attributes {stable_mosaic.version = 14 : i64} {
  func.func @_prop_body(%arg0: i32, %arg1: i32, %arg2: memref<32x128x128xi32, #tpu.memory_space<hbm>>, %arg3: memref<32x128x128xi32, #tpu.memory_space<hbm>>, %arg4: memref<10000x128xf32, #tpu.memory_space<hbm>>, %arg5: memref<2x10112x128xf32, #tpu.memory_space<hbm>>, %arg6: memref<32x128xi32, #tpu.memory_space<vmem>>, %arg7: memref<32x128xi32, #tpu.memory_space<vmem>>, %arg8: memref<2x128x128xf32, #tpu.memory_space<vmem>>, %arg9: memref<10112x128xf32, #tpu.memory_space<vmem_shared>>, %arg10: memref<!tpu.dma_semaphore, #tpu.memory_space<semaphore_mem>>, %arg11: memref<!tpu.dma_semaphore, #tpu.memory_space<semaphore_mem>>) attributes {dimension_semantics = [#tpu.dimension_semantics<core_parallel>, #tpu.dimension_semantics<subcore_parallel>], iteration_bounds = array<i64: 2, 16>, scalar_prefetch = 0 : i64, scratch_operands = 6 : i64, tpu.core_type = #tpu.core_type<sc_vector_subcore>, window_params = [{transform_indices = #map}, {transform_indices = #map}, {transform_indices = #map1}, {transform_indices = #map}]} {
    %mul3A = arith.constant 2 : i32
    %mul3A_0 = arith.muli %arg1, %mul3A : i32
    %add3A = arith.addi %mul3A_0, %arg0 : i32
    %scan3A = arith.constant 0 : i32
    %scan3A_1 = arith.constant 0 : i32
    %scan3A_2 = arith.constant 128 : i32
    %scan3A_3 = arith.addi %scan3A_1, %scan3A_2 : i32
    %scan3A_4 = arith.constant 1 : i32
    scf.for %scan3A_69 = %scan3A_1 to %scan3A_3 step %scan3A_4  : i32 {
      %broadcast_in_dim3A = arith.constant 0.000000e+00 : f32
      %broadcast_in_dim3A_70 = vector.broadcast %broadcast_in_dim3A : f32 to vector<16xf32>
      %swap3A = arith.constant 0 : i32
      %swap3A_71 = arith.index_cast %swap3A : i32 to index
      %swap3A_72 = arith.index_cast %scan3A_69 : i32 to index
      %swap3A_73 = arith.constant 0 : index
      %swap3A_74 = tpu.vector_load %arg8[%swap3A_71, %swap3A_72, %swap3A_73] {strides = array<i32>} : memref<2x128x128xf32, #tpu.memory_space<vmem>>, vector<1x1x16xf32>,
      %swap3A_75 = vector.shape_cast %swap3A_74 : vector<1x1x16xf32> to vector<16xf32>
      %swap3A_76 = vector.shape_cast %broadcast_in_dim3A_70 : vector<16xf32> to vector<1x1x16xf32>
      tpu.vector_store %arg8[%swap3A_71, %swap3A_72, %swap3A_73], %swap3A_76 {strides = array<i32>} : memref<2x128x128xf32, #tpu.memory_space<vmem>>, vector<1x1x16xf32>,
      %broadcast_in_dim3A_77 = arith.constant 0.000000e+00 : f32
      %broadcast_in_dim3A_78 = vector.broadcast %broadcast_in_dim3A_77 : f32 to vector<16xf32>
      %swap3A_79 = arith.constant 0 : i32
      %swap3A_80 = arith.index_cast %swap3A_79 : i32 to index
      %swap3A_81 = arith.index_cast %scan3A_69 : i32 to index
      %swap3A_82 = arith.constant 16 : index
      %swap3A_83 = tpu.vector_load %arg8[%swap3A_80, %swap3A_81, %swap3A_82] {strides = array<i32>} : memref<2x128x128xf32, #tpu.memory_space<vmem>>, vector<1x1x16xf32>,
      %swap3A_84 = vector.shape_cast %swap3A_83 : vector<1x1x16xf32> to vector<16xf32>
      %swap3A_85 = vector.shape_cast %broadcast_in_dim3A_78 : vector<16xf32> to vector<1x1x16xf32>
      tpu.vector_store %arg8[%swap3A_80, %swap3A_81, %swap3A_82], %swap3A_85 {strides = array<i32>} : memref<2x128x128xf32, #tpu.memory_space<vmem>>, vector<1x1x16xf32>,
      %broadcast_in_dim3A_86 = arith.constant 0.000000e+00 : f32
      %broadcast_in_dim3A_87 = vector.broadcast %broadcast_in_dim3A_86 : f32 to vector<16xf32>
      %swap3A_88 = arith.constant 0 : i32
      %swap3A_89 = arith.index_cast %swap3A_88 : i32 to index
      %swap3A_90 = arith.index_cast %scan3A_69 : i32 to index
      %swap3A_91 = arith.constant 32 : index
      %swap3A_92 = tpu.vector_load %arg8[%swap3A_89, %swap3A_90, %swap3A_91] {strides = array<i32>} : memref<2x128x128xf32, #tpu.memory_space<vmem>>, vector<1x1x16xf32>,
      %swap3A_93 = vector.shape_cast %swap3A_92 : vector<1x1x16xf32> to vector<16xf32>
      %swap3A_94 = vector.shape_cast %broadcast_in_dim3A_87 : vector<16xf32> to vector<1x1x16xf32>
      tpu.vector_store %arg8[%swap3A_89, %swap3A_90, %swap3A_91], %swap3A_94 {strides = array<i32>} : memref<2x128x128xf32, #tpu.memory_space<vmem>>, vector<1x1x16xf32>,
      %broadcast_in_dim3A_95 = arith.constant 0.000000e+00 : f32
      %broadcast_in_dim3A_96 = vector.broadcast %broadcast_in_dim3A_95 : f32 to vector<16xf32>
      %swap3A_97 = arith.constant 0 : i32
      %swap3A_98 = arith.index_cast %swap3A_97 : i32 to index
      %swap3A_99 = arith.index_cast %scan3A_69 : i32 to index
      %swap3A_100 = arith.constant 48 : index
      %swap3A_101 = tpu.vector_load %arg8[%swap3A_98, %swap3A_99, %swap3A_100] {strides = array<i32>} : memref<2x128x128xf32, #tpu.memory_space<vmem>>, vector<1x1x16xf32>,
      %swap3A_102 = vector.shape_cast %swap3A_101 : vector<1x1x16xf32> to vector<16xf32>
      %swap3A_103 = vector.shape_cast %broadcast_in_dim3A_96 : vector<16xf32> to vector<1x1x16xf32>
      tpu.vector_store %arg8[%swap3A_98, %swap3A_99, %swap3A_100], %swap3A_103 {strides = array<i32>} : memref<2x128x128xf32, #tpu.memory_space<vmem>>, vector<1x1x16xf32>,
      %broadcast_in_dim3A_104 = arith.constant 0.000000e+00 : f32
      %broadcast_in_dim3A_105 = vector.broadcast %broadcast_in_dim3A_104 : f32 to vector<16xf32>
      %swap3A_106 = arith.constant 0 : i32
      %swap3A_107 = arith.index_cast %swap3A_106 : i32 to index
      %swap3A_108 = arith.index_cast %scan3A_69 : i32 to index
      %swap3A_109 = arith.constant 64 : index
      %swap3A_110 = tpu.vector_load %arg8[%swap3A_107, %swap3A_108, %swap3A_109] {strides = array<i32>} : memref<2x128x128xf32, #tpu.memory_space<vmem>>, vector<1x1x16xf32>,
      %swap3A_111 = vector.shape_cast %swap3A_110 : vector<1x1x16xf32> to vector<16xf32>
      %swap3A_112 = vector.shape_cast %broadcast_in_dim3A_105 : vector<16xf32> to vector<1x1x16xf32>
      tpu.vector_store %arg8[%swap3A_107, %swap3A_108, %swap3A_109], %swap3A_112 {strides = array<i32>} : memref<2x128x128xf32, #tpu.memory_space<vmem>>, vector<1x1x16xf32>,
      %broadcast_in_dim3A_113 = arith.constant 0.000000e+00 : f32
      %broadcast_in_dim3A_114 = vector.broadcast %broadcast_in_dim3A_113 : f32 to vector<16xf32>
      %swap3A_115 = arith.constant 0 : i32
      %swap3A_116 = arith.index_cast %swap3A_115 : i32 to index
      %swap3A_117 = arith.index_cast %scan3A_69 : i32 to index
      %swap3A_118 = arith.constant 80 : index
      %swap3A_119 = tpu.vector_load %arg8[%swap3A_116, %swap3A_117, %swap3A_118] {strides = array<i32>} : memref<2x128x128xf32, #tpu.memory_space<vmem>>, vector<1x1x16xf32>,
      %swap3A_120 = vector.shape_cast %swap3A_119 : vector<1x1x16xf32> to vector<16xf32>
      %swap3A_121 = vector.shape_cast %broadcast_in_dim3A_114 : vector<16xf32> to vector<1x1x16xf32>
      tpu.vector_store %arg8[%swap3A_116, %swap3A_117, %swap3A_118], %swap3A_121 {strides = array<i32>} : memref<2x128x128xf32, #tpu.memory_space<vmem>>, vector<1x1x16xf32>,
      %broadcast_in_dim3A_122 = arith.constant 0.000000e+00 : f32
      %broadcast_in_dim3A_123 = vector.broadcast %broadcast_in_dim3A_122 : f32 to vector<16xf32>
      %swap3A_124 = arith.constant 0 : i32
      %swap3A_125 = arith.index_cast %swap3A_124 : i32 to index
      %swap3A_126 = arith.index_cast %scan3A_69 : i32 to index
      %swap3A_127 = arith.constant 96 : index
      %swap3A_128 = tpu.vector_load %arg8[%swap3A_125, %swap3A_126, %swap3A_127] {strides = array<i32>} : memref<2x128x128xf32, #tpu.memory_space<vmem>>, vector<1x1x16xf32>,
      %swap3A_129 = vector.shape_cast %swap3A_128 : vector<1x1x16xf32> to vector<16xf32>
      %swap3A_130 = vector.shape_cast %broadcast_in_dim3A_123 : vector<16xf32> to vector<1x1x16xf32>
      tpu.vector_store %arg8[%swap3A_125, %swap3A_126, %swap3A_127], %swap3A_130 {strides = array<i32>} : memref<2x128x128xf32, #tpu.memory_space<vmem>>, vector<1x1x16xf32>,
      %broadcast_in_dim3A_131 = arith.constant 0.000000e+00 : f32
      %broadcast_in_dim3A_132 = vector.broadcast %broadcast_in_dim3A_131 : f32 to vector<16xf32>
      %swap3A_133 = arith.constant 0 : i32
      %swap3A_134 = arith.index_cast %swap3A_133 : i32 to index
      %swap3A_135 = arith.index_cast %scan3A_69 : i32 to index
      %swap3A_136 = arith.constant 112 : index
      %swap3A_137 = tpu.vector_load %arg8[%swap3A_134, %swap3A_135, %swap3A_136] {strides = array<i32>} : memref<2x128x128xf32, #tpu.memory_space<vmem>>, vector<1x1x16xf32>,
      %swap3A_138 = vector.shape_cast %swap3A_137 : vector<1x1x16xf32> to vector<16xf32>
      %swap3A_139 = vector.shape_cast %broadcast_in_dim3A_132 : vector<16xf32> to vector<1x1x16xf32>
      tpu.vector_store %arg8[%swap3A_134, %swap3A_135, %swap3A_136], %swap3A_139 {strides = array<i32>} : memref<2x128x128xf32, #tpu.memory_space<vmem>>, vector<1x1x16xf32>,
    }
    %scan3A_5 = arith.constant 128 : i32
    %mul3A_6 = arith.constant 632 : i32
    %mul3A_7 = arith.muli %arg1, %mul3A_6 : i32
    %add3A_8 = arith.constant 0 : i32
    %add3A_9 = arith.addi %mul3A_7, %add3A_8 : i32
    %run_scoped3A = arith.constant 0 : i32
    "tpu.region"() ({
      %run_scoped3A_69 = tpu.sem_alloc : memref<!tpu.dma_semaphore, #tpu.memory_space<semaphore_mem>>
      %dma_start3A = arith.constant 0 : i32
      %dma_start3A_70 = arith.constant 0 : i32
      %dma_start3A_71 = tpu.memref_slice %arg8[%run_scoped3A, %dma_start3A, %dma_start3A_70] : memref<2x128x128xf32, #tpu.memory_space<vmem>> -> memref<1x128x128xf32, #tpu.memory_space<vmem>>
      %dma_start3A_72 = tpu.memref_squeeze %dma_start3A_71 : memref<1x128x128xf32, #tpu.memory_space<vmem>> -> memref<128x128xf32, #tpu.memory_space<vmem>>
      %dma_start3A_73 = arith.constant 0 : i32
      %dma_start3A_74 = tpu.memref_slice %arg9[%add3A_9, %dma_start3A_73] : memref<10112x128xf32, #tpu.memory_space<vmem_shared>> -> memref<128x128xf32, #tpu.memory_space<vmem_shared>>
      %dma_start3A_75 = arith.constant 0 : i32
      %dma_start3A_76 = tpu.memref_slice %arg9[%add3A_9, %dma_start3A_75] : memref<10112x128xf32, #tpu.memory_space<vmem_shared>> -> memref<128x128xf32, #tpu.memory_space<vmem_shared>>
      %dma_start3A_77 = arith.constant 0 : i32
      %dma_start3A_78 = arith.constant 0 : i32
      %dma_start3A_79 = tpu.memref_slice %arg8[%run_scoped3A, %dma_start3A_77, %dma_start3A_78] : memref<2x128x128xf32, #tpu.memory_space<vmem>> -> memref<1x128x128xf32, #tpu.memory_space<vmem>>
      %dma_start3A_80 = tpu.memref_squeeze %dma_start3A_79 : memref<1x128x128xf32, #tpu.memory_space<vmem>> -> memref<128x128xf32, #tpu.memory_space<vmem>>
      tpu.enqueue_dma source(%dma_start3A_80 : memref<128x128xf32, #tpu.memory_space<vmem>>) target(%dma_start3A_76 : memref<128x128xf32, #tpu.memory_space<vmem_shared>>) target_semaphore(%run_scoped3A_69 : memref<!tpu.dma_semaphore, #tpu.memory_space<semaphore_mem>>)
      %dma_wait3A = arith.constant 0 : i32
      %dma_wait3A_81 = arith.constant 0 : i32
      %dma_wait3A_82 = tpu.memref_slice %arg8[%run_scoped3A, %dma_wait3A, %dma_wait3A_81] : memref<2x128x128xf32, #tpu.memory_space<vmem>> -> memref<1x128x128xf32, #tpu.memory_space<vmem>>
      %dma_wait3A_83 = tpu.memref_squeeze %dma_wait3A_82 : memref<1x128x128xf32, #tpu.memory_space<vmem>> -> memref<128x128xf32, #tpu.memory_space<vmem>>
      %dma_wait3A_84 = arith.constant 0 : i32
      %dma_wait3A_85 = tpu.memref_slice %arg9[%add3A_9, %dma_wait3A_84] : memref<10112x128xf32, #tpu.memory_space<vmem_shared>> -> memref<128x128xf32, #tpu.memory_space<vmem_shared>>
      %dma_wait3A_86 = arith.constant 0 : i32
      %dma_wait3A_87 = tpu.memref_slice %arg9[%add3A_9, %dma_wait3A_86] : memref<10112x128xf32, #tpu.memory_space<vmem_shared>> -> memref<128x128xf32, #tpu.memory_space<vmem_shared>>
      %dma_wait3A_88 = arith.constant 0 : i32
      %dma_wait3A_89 = arith.constant 0 : i32
      %dma_wait3A_90 = tpu.memref_slice %arg8[%run_scoped3A, %dma_wait3A_88, %dma_wait3A_89] : memref<2x128x128xf32, #tpu.memory_space<vmem>> -> memref<1x128x128xf32, #tpu.memory_space<vmem>>
      %dma_wait3A_91 = tpu.memref_squeeze %dma_wait3A_90 : memref<1x128x128xf32, #tpu.memory_space<vmem>> -> memref<128x128xf32, #tpu.memory_space<vmem>>
      tpu.wait_dma2 semaphore(%run_scoped3A_69 : memref<!tpu.dma_semaphore, #tpu.memory_space<semaphore_mem>>) src(%dma_wait3A_91 : memref<128x128xf32, #tpu.memory_space<vmem>>) dst(%dma_wait3A_87 : memref<128x128xf32, #tpu.memory_space<vmem_shared>>)
      tpu.yield
    }) : () -> ()
    %add3A_10 = arith.constant 128 : i32
    %add3A_11 = arith.addi %mul3A_7, %add3A_10 : i32
    %run_scoped3A_12 = arith.constant 0 : i32
    "tpu.region"() ({
      %run_scoped3A_69 = tpu.sem_alloc : memref<!tpu.dma_semaphore, #tpu.memory_space<semaphore_mem>>
      %dma_start3A = arith.constant 0 : i32
      %dma_start3A_70 = arith.constant 0 : i32
      %dma_start3A_71 = tpu.memref_slice %arg8[%run_scoped3A_12, %dma_start3A, %dma_start3A_70] : memref<2x128x128xf32, #tpu.memory_space<vmem>> -> memref<1x128x128xf32, #tpu.memory_space<vmem>>
      %dma_start3A_72 = tpu.memref_squeeze %dma_start3A_71 : memref<1x128x128xf32, #tpu.memory_space<vmem>> -> memref<128x128xf32, #tpu.memory_space<vmem>>
      %dma_start3A_73 = arith.constant 0 : i32
      %dma_start3A_74 = tpu.memref_slice %arg9[%add3A_11, %dma_start3A_73] : memref<10112x128xf32, #tpu.memory_space<vmem_shared>> -> memref<128x128xf32, #tpu.memory_space<vmem_shared>>
      %dma_start3A_75 = arith.constant 0 : i32
      %dma_start3A_76 = tpu.memref_slice %arg9[%add3A_11, %dma_start3A_75] : memref<10112x128xf32, #tpu.memory_space<vmem_shared>> -> memref<128x128xf32, #tpu.memory_space<vmem_shared>>
      %dma_start3A_77 = arith.constant 0 : i32
      %dma_start3A_78 = arith.constant 0 : i32
      %dma_start3A_79 = tpu.memref_slice %arg8[%run_scoped3A_12, %dma_start3A_77, %dma_start3A_78] : memref<2x128x128xf32, #tpu.memory_space<vmem>> -> memref<1x128x128xf32, #tpu.memory_space<vmem>>
      %dma_start3A_80 = tpu.memref_squeeze %dma_start3A_79 : memref<1x128x128xf32, #tpu.memory_space<vmem>> -> memref<128x128xf32, #tpu.memory_space<vmem>>
      tpu.enqueue_dma source(%dma_start3A_80 : memref<128x128xf32, #tpu.memory_space<vmem>>) target(%dma_start3A_76 : memref<128x128xf32, #tpu.memory_space<vmem_shared>>) target_semaphore(%run_scoped3A_69 : memref<!tpu.dma_semaphore, #tpu.memory_space<semaphore_mem>>)
      %dma_wait3A = arith.constant 0 : i32
      %dma_wait3A_81 = arith.constant 0 : i32
      %dma_wait3A_82 = tpu.memref_slice %arg8[%run_scoped3A_12, %dma_wait3A, %dma_wait3A_81] : memref<2x128x128xf32, #tpu.memory_space<vmem>> -> memref<1x128x128xf32, #tpu.memory_space<vmem>>
      %dma_wait3A_83 = tpu.memref_squeeze %dma_wait3A_82 : memref<1x128x128xf32, #tpu.memory_space<vmem>> -> memref<128x128xf32, #tpu.memory_space<vmem>>
      %dma_wait3A_84 = arith.constant 0 : i32
      %dma_wait3A_85 = tpu.memref_slice %arg9[%add3A_11, %dma_wait3A_84] : memref<10112x128xf32, #tpu.memory_space<vmem_shared>> -> memref<128x128xf32, #tpu.memory_space<vmem_shared>>
      %dma_wait3A_86 = arith.constant 0 : i32
      %dma_wait3A_87 = tpu.memref_slice %arg9[%add3A_11, %dma_wait3A_86] : memref<10112x128xf32, #tpu.memory_space<vmem_shared>> -> memref<128x128xf32, #tpu.memory_space<vmem_shared>>
      %dma_wait3A_88 = arith.constant 0 : i32
      %dma_wait3A_89 = arith.constant 0 : i32
      %dma_wait3A_90 = tpu.memref_slice %arg8[%run_scoped3A_12, %dma_wait3A_88, %dma_wait3A_89] : memref<2x128x128xf32, #tpu.memory_space<vmem>> -> memref<1x128x128xf32, #tpu.memory_space<vmem>>
      %dma_wait3A_91 = tpu.memref_squeeze %dma_wait3A_90 : memref<1x128x128xf32, #tpu.memory_space<vmem>> -> memref<128x128xf32, #tpu.memory_space<vmem>>
      tpu.wait_dma2 semaphore(%run_scoped3A_69 : memref<!tpu.dma_semaphore, #tpu.memory_space<semaphore_mem>>) src(%dma_wait3A_91 : memref<128x128xf32, #tpu.memory_space<vmem>>) dst(%dma_wait3A_87 : memref<128x128xf32, #tpu.memory_space<vmem_shared>>)
      tpu.yield
    }) : () -> ()
    %add3A_13 = arith.constant 256 : i32
    %add3A_14 = arith.addi %mul3A_7, %add3A_13 : i32
    %run_scoped3A_15 = arith.constant 0 : i32
    "tpu.region"() ({
      %run_scoped3A_69 = tpu.sem_alloc : memref<!tpu.dma_semaphore, #tpu.memory_space<semaphore_mem>>
      %dma_start3A = arith.constant 0 : i32
      %dma_start3A_70 = arith.constant 0 : i32
      %dma_start3A_71 = tpu.memref_slice %arg8[%run_scoped3A_15, %dma_start3A, %dma_start3A_70] : memref<2x128x128xf32, #tpu.memory_space<vmem>> -> memref<1x128x128xf32, #tpu.memory_space<vmem>>
      %dma_start3A_72 = tpu.memref_squeeze %dma_start3A_71 : memref<1x128x128xf32, #tpu.memory_space<vmem>> -> memref<128x128xf32, #tpu.memory_space<vmem>>
      %dma_start3A_73 = arith.constant 0 : i32
      %dma_start3A_74 = tpu.memref_slice %arg9[%add3A_14, %dma_start3A_73] : memref<10112x128xf32, #tpu.memory_space<vmem_shared>> -> memref<128x128xf32, #tpu.memory_space<vmem_shared>>
      %dma_start3A_75 = arith.constant 0 : i32
      %dma_start3A_76 = tpu.memref_slice %arg9[%add3A_14, %dma_start3A_75] : memref<10112x128xf32, #tpu.memory_space<vmem_shared>> -> memref<128x128xf32, #tpu.memory_space<vmem_shared>>
      %dma_start3A_77 = arith.constant 0 : i32
      %dma_start3A_78 = arith.constant 0 : i32
      %dma_start3A_79 = tpu.memref_slice %arg8[%run_scoped3A_15, %dma_start3A_77, %dma_start3A_78] : memref<2x128x128xf32, #tpu.memory_space<vmem>> -> memref<1x128x128xf32, #tpu.memory_space<vmem>>
      %dma_start3A_80 = tpu.memref_squeeze %dma_start3A_79 : memref<1x128x128xf32, #tpu.memory_space<vmem>> -> memref<128x128xf32, #tpu.memory_space<vmem>>
      tpu.enqueue_dma source(%dma_start3A_80 : memref<128x128xf32, #tpu.memory_space<vmem>>) target(%dma_start3A_76 : memref<128x128xf32, #tpu.memory_space<vmem_shared>>) target_semaphore(%run_scoped3A_69 : memref<!tpu.dma_semaphore, #tpu.memory_space<semaphore_mem>>)
      %dma_wait3A = arith.constant 0 : i32
      %dma_wait3A_81 = arith.constant 0 : i32
      %dma_wait3A_82 = tpu.memref_slice %arg8[%run_scoped3A_15, %dma_wait3A, %dma_wait3A_81] : memref<2x128x128xf32, #tpu.memory_space<vmem>> -> memref<1x128x128xf32, #tpu.memory_space<vmem>>
      %dma_wait3A_83 = tpu.memref_squeeze %dma_wait3A_82 : memref<1x128x128xf32, #tpu.memory_space<vmem>> -> memref<128x128xf32, #tpu.memory_space<vmem>>
      %dma_wait3A_84 = arith.constant 0 : i32
      %dma_wait3A_85 = tpu.memref_slice %arg9[%add3A_14, %dma_wait3A_84] : memref<10112x128xf32, #tpu.memory_space<vmem_shared>> -> memref<128x128xf32, #tpu.memory_space<vmem_shared>>
      %dma_wait3A_86 = arith.constant 0 : i32
      %dma_wait3A_87 = tpu.memref_slice %arg9[%add3A_14, %dma_wait3A_86] : memref<10112x128xf32, #tpu.memory_space<vmem_shared>> -> memref<128x128xf32, #tpu.memory_space<vmem_shared>>
      %dma_wait3A_88 = arith.constant 0 : i32
      %dma_wait3A_89 = arith.constant 0 : i32
      %dma_wait3A_90 = tpu.memref_slice %arg8[%run_scoped3A_15, %dma_wait3A_88, %dma_wait3A_89] : memref<2x128x128xf32, #tpu.memory_space<vmem>> -> memref<1x128x128xf32, #tpu.memory_space<vmem>>
      %dma_wait3A_91 = tpu.memref_squeeze %dma_wait3A_90 : memref<1x128x128xf32, #tpu.memory_space<vmem>> -> memref<128x128xf32, #tpu.memory_space<vmem>>
      tpu.wait_dma2 semaphore(%run_scoped3A_69 : memref<!tpu.dma_semaphore, #tpu.memory_space<semaphore_mem>>) src(%dma_wait3A_91 : memref<128x128xf32, #tpu.memory_space<vmem>>) dst(%dma_wait3A_87 : memref<128x128xf32, #tpu.memory_space<vmem_shared>>)
      tpu.yield
    }) : () -> ()
    %add3A_16 = arith.constant 384 : i32
    %add3A_17 = arith.addi %mul3A_7, %add3A_16 : i32
    %run_scoped3A_18 = arith.constant 0 : i32
    "tpu.region"() ({
      %run_scoped3A_69 = tpu.sem_alloc : memref<!tpu.dma_semaphore, #tpu.memory_space<semaphore_mem>>
      %dma_start3A = arith.constant 0 : i32
      %dma_start3A_70 = arith.constant 0 : i32
      %dma_start3A_71 = tpu.memref_slice %arg8[%run_scoped3A_18, %dma_start3A, %dma_start3A_70] : memref<2x128x128xf32, #tpu.memory_space<vmem>> -> memref<1x128x128xf32, #tpu.memory_space<vmem>>
      %dma_start3A_72 = tpu.memref_squeeze %dma_start3A_71 : memref<1x128x128xf32, #tpu.memory_space<vmem>> -> memref<128x128xf32, #tpu.memory_space<vmem>>
      %dma_start3A_73 = arith.constant 0 : i32
      %dma_start3A_74 = tpu.memref_slice %arg9[%add3A_17, %dma_start3A_73] : memref<10112x128xf32, #tpu.memory_space<vmem_shared>> -> memref<128x128xf32, #tpu.memory_space<vmem_shared>>
      %dma_start3A_75 = arith.constant 0 : i32
      %dma_start3A_76 = tpu.memref_slice %arg9[%add3A_17, %dma_start3A_75] : memref<10112x128xf32, #tpu.memory_space<vmem_shared>> -> memref<128x128xf32, #tpu.memory_space<vmem_shared>>
      %dma_start3A_77 = arith.constant 0 : i32
      %dma_start3A_78 = arith.constant 0 : i32
      %dma_start3A_79 = tpu.memref_slice %arg8[%run_scoped3A_18, %dma_start3A_77, %dma_start3A_78] : memref<2x128x128xf32, #tpu.memory_space<vmem>> -> memref<1x128x128xf32, #tpu.memory_space<vmem>>
      %dma_start3A_80 = tpu.memref_squeeze %dma_start3A_79 : memref<1x128x128xf32, #tpu.memory_space<vmem>> -> memref<128x128xf32, #tpu.memory_space<vmem>>
      tpu.enqueue_dma source(%dma_start3A_80 : memref<128x128xf32, #tpu.memory_space<vmem>>) target(%dma_start3A_76 : memref<128x128xf32, #tpu.memory_space<vmem_shared>>) target_semaphore(%run_scoped3A_69 : memref<!tpu.dma_semaphore, #tpu.memory_space<semaphore_mem>>)
      %dma_wait3A = arith.constant 0 : i32
      %dma_wait3A_81 = arith.constant 0 : i32
      %dma_wait3A_82 = tpu.memref_slice %arg8[%run_scoped3A_18, %dma_wait3A, %dma_wait3A_81] : memref<2x128x128xf32, #tpu.memory_space<vmem>> -> memref<1x128x128xf32, #tpu.memory_space<vmem>>
      %dma_wait3A_83 = tpu.memref_squeeze %dma_wait3A_82 : memref<1x128x128xf32, #tpu.memory_space<vmem>> -> memref<128x128xf32, #tpu.memory_space<vmem>>
      %dma_wait3A_84 = arith.constant 0 : i32
      %dma_wait3A_85 = tpu.memref_slice %arg9[%add3A_17, %dma_wait3A_84] : memref<10112x128xf32, #tpu.memory_space<vmem_shared>> -> memref<128x128xf32, #tpu.memory_space<vmem_shared>>
      %dma_wait3A_86 = arith.constant 0 : i32
      %dma_wait3A_87 = tpu.memref_slice %arg9[%add3A_17, %dma_wait3A_86] : memref<10112x128xf32, #tpu.memory_space<vmem_shared>> -> memref<128x128xf32, #tpu.memory_space<vmem_shared>>
      %dma_wait3A_88 = arith.constant 0 : i32
      %dma_wait3A_89 = arith.constant 0 : i32
      %dma_wait3A_90 = tpu.memref_slice %arg8[%run_scoped3A_18, %dma_wait3A_88, %dma_wait3A_89] : memref<2x128x128xf32, #tpu.memory_space<vmem>> -> memref<1x128x128xf32, #tpu.memory_space<vmem>>
      %dma_wait3A_91 = tpu.memref_squeeze %dma_wait3A_90 : memref<1x128x128xf32, #tpu.memory_space<vmem>> -> memref<128x128xf32, #tpu.memory_space<vmem>>
      tpu.wait_dma2 semaphore(%run_scoped3A_69 : memref<!tpu.dma_semaphore, #tpu.memory_space<semaphore_mem>>) src(%dma_wait3A_91 : memref<128x128xf32, #tpu.memory_space<vmem>>) dst(%dma_wait3A_87 : memref<128x128xf32, #tpu.memory_space<vmem_shared>>)
      tpu.yield
    }) : () -> ()
    %add3A_19 = arith.constant 632 : i32
    %add3A_20 = arith.addi %mul3A_7, %add3A_19 : i32
    %sub3A = arith.constant 120 : i32
    %sub3A_21 = arith.subi %add3A_20, %sub3A : i32
    %run_scoped3A_22 = arith.constant 0 : i32
    "tpu.region"() ({
      %run_scoped3A_69 = tpu.sem_alloc : memref<!tpu.dma_semaphore, #tpu.memory_space<semaphore_mem>>
      %dma_start3A = arith.constant 0 : i32
      %dma_start3A_70 = arith.constant 0 : i32
      %dma_start3A_71 = tpu.memref_slice %arg8[%run_scoped3A_22, %dma_start3A, %dma_start3A_70] : memref<2x128x128xf32, #tpu.memory_space<vmem>> -> memref<1x120x128xf32, #tpu.memory_space<vmem>>
      %dma_start3A_72 = tpu.memref_squeeze %dma_start3A_71 : memref<1x120x128xf32, #tpu.memory_space<vmem>> -> memref<120x128xf32, #tpu.memory_space<vmem>>
      %dma_start3A_73 = arith.constant 0 : i32
      %dma_start3A_74 = tpu.memref_slice %arg9[%sub3A_21, %dma_start3A_73] : memref<10112x128xf32, #tpu.memory_space<vmem_shared>> -> memref<120x128xf32, #tpu.memory_space<vmem_shared>>
      %dma_start3A_75 = arith.constant 0 : i32
      %dma_start3A_76 = tpu.memref_slice %arg9[%sub3A_21, %dma_start3A_75] : memref<10112x128xf32, #tpu.memory_space<vmem_shared>> -> memref<120x128xf32, #tpu.memory_space<vmem_shared>>
      %dma_start3A_77 = arith.constant 0 : i32
      %dma_start3A_78 = arith.constant 0 : i32
      %dma_start3A_79 = tpu.memref_slice %arg8[%run_scoped3A_22, %dma_start3A_77, %dma_start3A_78] : memref<2x128x128xf32, #tpu.memory_space<vmem>> -> memref<1x120x128xf32, #tpu.memory_space<vmem>>
      %dma_start3A_80 = tpu.memref_squeeze %dma_start3A_79 : memref<1x120x128xf32, #tpu.memory_space<vmem>> -> memref<120x128xf32, #tpu.memory_space<vmem>>
      tpu.enqueue_dma source(%dma_start3A_80 : memref<120x128xf32, #tpu.memory_space<vmem>>) target(%dma_start3A_76 : memref<120x128xf32, #tpu.memory_space<vmem_shared>>) target_semaphore(%run_scoped3A_69 : memref<!tpu.dma_semaphore, #tpu.memory_space<semaphore_mem>>)
      %dma_wait3A = arith.constant 0 : i32
      %dma_wait3A_81 = arith.constant 0 : i32
      %dma_wait3A_82 = tpu.memref_slice %arg8[%run_scoped3A_22, %dma_wait3A, %dma_wait3A_81] : memref<2x128x128xf32, #tpu.memory_space<vmem>> -> memref<1x120x128xf32, #tpu.memory_space<vmem>>
      %dma_wait3A_83 = tpu.memref_squeeze %dma_wait3A_82 : memref<1x120x128xf32, #tpu.memory_space<vmem>> -> memref<120x128xf32, #tpu.memory_space<vmem>>
      %dma_wait3A_84 = arith.constant 0 : i32
      %dma_wait3A_85 = tpu.memref_slice %arg9[%sub3A_21, %dma_wait3A_84] : memref<10112x128xf32, #tpu.memory_space<vmem_shared>> -> memref<120x128xf32, #tpu.memory_space<vmem_shared>>
      %dma_wait3A_86 = arith.constant 0 : i32
      %dma_wait3A_87 = tpu.memref_slice %arg9[%sub3A_21, %dma_wait3A_86] : memref<10112x128xf32, #tpu.memory_space<vmem_shared>> -> memref<120x128xf32, #tpu.memory_space<vmem_shared>>
      %dma_wait3A_88 = arith.constant 0 : i32
      %dma_wait3A_89 = arith.constant 0 : i32
      %dma_wait3A_90 = tpu.memref_slice %arg8[%run_scoped3A_22, %dma_wait3A_88, %dma_wait3A_89] : memref<2x128x128xf32, #tpu.memory_space<vmem>> -> memref<1x120x128xf32, #tpu.memory_space<vmem>>
      %dma_wait3A_91 = tpu.memref_squeeze %dma_wait3A_90 : memref<1x120x128xf32, #tpu.memory_space<vmem>> -> memref<120x128xf32, #tpu.memory_space<vmem>>
      tpu.wait_dma2 semaphore(%run_scoped3A_69 : memref<!tpu.dma_semaphore, #tpu.memory_space<semaphore_mem>>) src(%dma_wait3A_91 : memref<120x128xf32, #tpu.memory_space<vmem>>) dst(%dma_wait3A_87 : memref<120x128xf32, #tpu.memory_space<vmem_shared>>)
      tpu.yield
    }) : () -> ()
    %barrier3A = arith.constant 0 : index
    tpu.barrier barrier_id(%barrier3A)
    %eq3A = arith.constant 0 : i32
    %eq3A_23 = arith.cmpi eq, %arg0, %eq3A : i32
    %jit3A = arith.constant 4 : i32
    %jit3A_24 = arith.constant 1 : i32
    %select_n3A = arith.select %eq3A_23, %jit3A, %jit3A_24 : i32
    %while3A = arith.constant 0 : i32
    %while3A_25 = arith.constant 0 : i32
    %while3A_26 = arith.subi %select_n3A, %while3A_25 : i32
    %while3A_27 = arith.addi %while3A_25, %while3A_26 : i32
    %while3A_28 = arith.constant 1 : i32
    %while3A_29 = arith.divsi %while3A_26, %while3A_28 : i32
    %while3A_30 = arith.muli %while3A_29, %while3A_28 : i32
    %while3A_31 = arith.addi %while3A_25, %while3A_30 : i32
    %while3A_32 = arith.constant 1 : i32
    scf.for %while3A_69 = %while3A_25 to %while3A_31 step %while3A_32  : i32 {
      %mul3A_70 = arith.constant 32 : i32
      %mul3A_71 = arith.muli %while3A_69, %mul3A_70 : i32
      "tpu.region"() ({
        %run_scoped3A_103 = tpu.sem_alloc : memref<!tpu.dma_semaphore, #tpu.memory_space<semaphore_mem>>
        %dma_start3A_104 = arith.constant 0 : i32
        %dma_start3A_105 = tpu.memref_slice %arg2[%add3A, %mul3A_71, %dma_start3A_104] : memref<32x128x128xi32, #tpu.memory_space<hbm>> -> memref<1x32x128xi32, #tpu.memory_space<hbm>>
        %dma_start3A_106 = tpu.memref_squeeze %dma_start3A_105 : memref<1x32x128xi32, #tpu.memory_space<hbm>> -> memref<32x128xi32, #tpu.memory_space<hbm>>
        %dma_start3A_107 = arith.constant 0 : i32
        %dma_start3A_108 = tpu.memref_slice %arg2[%add3A, %mul3A_71, %dma_start3A_107] : memref<32x128x128xi32, #tpu.memory_space<hbm>> -> memref<1x32x128xi32, #tpu.memory_space<hbm>>
        %dma_start3A_109 = tpu.memref_squeeze %dma_start3A_108 : memref<1x32x128xi32, #tpu.memory_space<hbm>> -> memref<32x128xi32, #tpu.memory_space<hbm>>
        tpu.enqueue_dma source(%dma_start3A_109 : memref<32x128xi32, #tpu.memory_space<hbm>>) target(%arg6 : memref<32x128xi32, #tpu.memory_space<vmem>>) target_semaphore(%run_scoped3A_103 : memref<!tpu.dma_semaphore, #tpu.memory_space<semaphore_mem>>)
        %dma_wait3A = arith.constant 0 : i32
        %dma_wait3A_110 = tpu.memref_slice %arg2[%add3A, %mul3A_71, %dma_wait3A] : memref<32x128x128xi32, #tpu.memory_space<hbm>> -> memref<1x32x128xi32, #tpu.memory_space<hbm>>
        %dma_wait3A_111 = tpu.memref_squeeze %dma_wait3A_110 : memref<1x32x128xi32, #tpu.memory_space<hbm>> -> memref<32x128xi32, #tpu.memory_space<hbm>>
        %dma_wait3A_112 = arith.constant 0 : i32
        %dma_wait3A_113 = tpu.memref_slice %arg2[%add3A, %mul3A_71, %dma_wait3A_112] : memref<32x128x128xi32, #tpu.memory_space<hbm>> -> memref<1x32x128xi32, #tpu.memory_space<hbm>>
        %dma_wait3A_114 = tpu.memref_squeeze %dma_wait3A_113 : memref<1x32x128xi32, #tpu.memory_space<hbm>> -> memref<32x128xi32, #tpu.memory_space<hbm>>
        tpu.wait_dma2 semaphore(%run_scoped3A_103 : memref<!tpu.dma_semaphore, #tpu.memory_space<semaphore_mem>>) src(%dma_wait3A_114 : memref<32x128xi32, #tpu.memory_space<hbm>>) dst(%arg6 : memref<32x128xi32, #tpu.memory_space<vmem>>)
        tpu.yield
      }) : () -> ()
      %mul3A_72 = arith.constant 32 : i32
      %mul3A_73 = arith.muli %while3A_69, %mul3A_72 : i32
      "tpu.region"() ({
        %run_scoped3A_103 = tpu.sem_alloc : memref<!tpu.dma_semaphore, #tpu.memory_space<semaphore_mem>>
        %dma_start3A_104 = arith.constant 0 : i32
        %dma_start3A_105 = tpu.memref_slice %arg3[%add3A, %mul3A_73, %dma_start3A_104] : memref<32x128x128xi32, #tpu.memory_space<hbm>> -> memref<1x32x128xi32, #tpu.memory_space<hbm>>
        %dma_start3A_106 = tpu.memref_squeeze %dma_start3A_105 : memref<1x32x128xi32, #tpu.memory_space<hbm>> -> memref<32x128xi32, #tpu.memory_space<hbm>>
        %dma_start3A_107 = arith.constant 0 : i32
        %dma_start3A_108 = tpu.memref_slice %arg3[%add3A, %mul3A_73, %dma_start3A_107] : memref<32x128x128xi32, #tpu.memory_space<hbm>> -> memref<1x32x128xi32, #tpu.memory_space<hbm>>
        %dma_start3A_109 = tpu.memref_squeeze %dma_start3A_108 : memref<1x32x128xi32, #tpu.memory_space<hbm>> -> memref<32x128xi32, #tpu.memory_space<hbm>>
        tpu.enqueue_dma source(%dma_start3A_109 : memref<32x128xi32, #tpu.memory_space<hbm>>) target(%arg7 : memref<32x128xi32, #tpu.memory_space<vmem>>) target_semaphore(%run_scoped3A_103 : memref<!tpu.dma_semaphore, #tpu.memory_space<semaphore_mem>>)
        %dma_wait3A = arith.constant 0 : i32
        %dma_wait3A_110 = tpu.memref_slice %arg3[%add3A, %mul3A_73, %dma_wait3A] : memref<32x128x128xi32, #tpu.memory_space<hbm>> -> memref<1x32x128xi32, #tpu.memory_space<hbm>>
        %dma_wait3A_111 = tpu.memref_squeeze %dma_wait3A_110 : memref<1x32x128xi32, #tpu.memory_space<hbm>> -> memref<32x128xi32, #tpu.memory_space<hbm>>
        %dma_wait3A_112 = arith.constant 0 : i32
        %dma_wait3A_113 = tpu.memref_slice %arg3[%add3A, %mul3A_73, %dma_wait3A_112] : memref<32x128x128xi32, #tpu.memory_space<hbm>> -> memref<1x32x128xi32, #tpu.memory_space<hbm>>
        %dma_wait3A_114 = tpu.memref_squeeze %dma_wait3A_113 : memref<1x32x128xi32, #tpu.memory_space<hbm>> -> memref<32x128xi32, #tpu.memory_space<hbm>>
        tpu.wait_dma2 semaphore(%run_scoped3A_103 : memref<!tpu.dma_semaphore, #tpu.memory_space<semaphore_mem>>) src(%dma_wait3A_114 : memref<32x128xi32, #tpu.memory_space<hbm>>) dst(%arg7 : memref<32x128xi32, #tpu.memory_space<vmem>>)
        tpu.yield
      }) : () -> ()
      %dma_start3A = arith.constant 0 : i32
      %dma_start3A_74 = arith.constant 0 : i32
      %dma_start3A_75 = arith.constant 0 : i32
      %dma_start3A_76 = arith.constant 0 : i32
      %dma_start3A_77 = tpu.memref_slice %arg8[%dma_start3A_74, %dma_start3A_75, %dma_start3A_76] : memref<2x128x128xf32, #tpu.memory_space<vmem>> -> memref<1x128x128xf32, #tpu.memory_space<vmem>>
      %dma_start3A_78 = tpu.memref_squeeze %dma_start3A_77 : memref<1x128x128xf32, #tpu.memory_space<vmem>> -> memref<128x128xf32, #tpu.memory_space<vmem>>
      %dma_start3A_79 = arith.constant 0 : i32
      %dma_start3A_80 = tpu.memref_slice %arg6[%dma_start3A, %dma_start3A_79] : memref<32x128xi32, #tpu.memory_space<vmem>> -> memref<1x128xi32, #tpu.memory_space<vmem>>
      %dma_start3A_81 = tpu.memref_squeeze %dma_start3A_80 : memref<1x128xi32, #tpu.memory_space<vmem>> -> memref<128xi32, #tpu.memory_space<vmem>>
      %dma_start3A_82 = arith.constant 0 : i32
      %dma_start3A_83 = arith.constant 0 : i32
      %dma_start3A_84 = tpu.memref_slice %arg4[%dma_start3A_82, %dma_start3A_83] : memref<10000x128xf32, #tpu.memory_space<hbm>> -> memref<10000x128xf32, #tpu.memory_space<hbm>>
      tpu.enqueue_indirect_dma source(%dma_start3A_84 : memref<10000x128xf32, #tpu.memory_space<hbm>>) target(%dma_start3A_78 : memref<128x128xf32, #tpu.memory_space<vmem>>) offsets(%dma_start3A_81 : memref<128xi32, #tpu.memory_space<vmem>>) semaphore(%arg10 : memref<!tpu.dma_semaphore, #tpu.memory_space<semaphore_mem>>)
      %dma_start3A_85 = arith.constant 1 : i32
      %dma_start3A_86 = arith.constant 1 : i32
      %dma_start3A_87 = arith.constant 0 : i32
      %dma_start3A_88 = arith.constant 0 : i32
      %dma_start3A_89 = tpu.memref_slice %arg8[%dma_start3A_86, %dma_start3A_87, %dma_start3A_88] : memref<2x128x128xf32, #tpu.memory_space<vmem>> -> memref<1x128x128xf32, #tpu.memory_space<vmem>>
      %dma_start3A_90 = tpu.memref_squeeze %dma_start3A_89 : memref<1x128x128xf32, #tpu.memory_space<vmem>> -> memref<128x128xf32, #tpu.memory_space<vmem>>
      %dma_start3A_91 = arith.constant 0 : i32
      %dma_start3A_92 = tpu.memref_slice %arg6[%dma_start3A_85, %dma_start3A_91] : memref<32x128xi32, #tpu.memory_space<vmem>> -> memref<1x128xi32, #tpu.memory_space<vmem>>
      %dma_start3A_93 = tpu.memref_squeeze %dma_start3A_92 : memref<1x128xi32, #tpu.memory_space<vmem>> -> memref<128xi32, #tpu.memory_space<vmem>>
      %dma_start3A_94 = arith.constant 0 : i32
      %dma_start3A_95 = arith.constant 0 : i32
      %dma_start3A_96 = tpu.memref_slice %arg4[%dma_start3A_94, %dma_start3A_95] : memref<10000x128xf32, #tpu.memory_space<hbm>> -> memref<10000x128xf32, #tpu.memory_space<hbm>>
      tpu.enqueue_indirect_dma source(%dma_start3A_96 : memref<10000x128xf32, #tpu.memory_space<hbm>>) target(%dma_start3A_90 : memref<128x128xf32, #tpu.memory_space<vmem>>) offsets(%dma_start3A_93 : memref<128xi32, #tpu.memory_space<vmem>>) semaphore(%arg11 : memref<!tpu.dma_semaphore, #tpu.memory_space<semaphore_mem>>)
      %scan3A_97 = arith.constant 0 : i32
      %scan3A_98 = arith.constant 0 : i32
      %scan3A_99 = arith.constant 16 : i32
      %scan3A_100 = arith.addi %scan3A_98, %scan3A_99 : i32
      %scan3A_101 = arith.constant 1 : i32
      scf.for %scan3A_103 = %scan3A_98 to %scan3A_100 step %scan3A_101  : i32 {
        %mul3A_104 = arith.constant 2 : i32
        %mul3A_105 = arith.muli %mul3A_104, %scan3A_103 : i32
        %dma_wait3A = arith.constant 0 : i32
        %dma_wait3A_106 = arith.constant 0 : i32
        %dma_wait3A_107 = arith.constant 0 : i32
        %dma_wait3A_108 = tpu.memref_slice %arg8[%dma_wait3A, %dma_wait3A_106, %dma_wait3A_107] : memref<2x128x128xf32, #tpu.memory_space<vmem>> -> memref<1x128x128xf32, #tpu.memory_space<vmem>>
        %dma_wait3A_109 = tpu.memref_squeeze %dma_wait3A_108 : memref<1x128x128xf32, #tpu.memory_space<vmem>> -> memref<128x128xf32, #tpu.memory_space<vmem>>
        %dma_wait3A_110 = arith.constant 0 : i32
        %dma_wait3A_111 = tpu.memref_slice %arg6[%mul3A_105, %dma_wait3A_110] : memref<32x128xi32, #tpu.memory_space<vmem>> -> memref<1x128xi32, #tpu.memory_space<vmem>>
        %dma_wait3A_112 = tpu.memref_squeeze %dma_wait3A_111 : memref<1x128xi32, #tpu.memory_space<vmem>> -> memref<128xi32, #tpu.memory_space<vmem>>
        %dma_wait3A_113 = arith.constant 0 : i32
        %dma_wait3A_114 = arith.constant 0 : i32
        %dma_wait3A_115 = tpu.memref_slice %arg4[%dma_wait3A_113, %dma_wait3A_114] : memref<10000x128xf32, #tpu.memory_space<hbm>> -> memref<10000x128xf32, #tpu.memory_space<hbm>>
        tpu.wait_indirect_dma semaphore(%arg10 : memref<!tpu.dma_semaphore, #tpu.memory_space<semaphore_mem>>) src(%dma_wait3A_115 : memref<10000x128xf32, #tpu.memory_space<hbm>>) dst(%dma_wait3A_109 : memref<128x128xf32, #tpu.memory_space<vmem>>)
        %run_scoped3A_116 = arith.constant 0 : i32
        "tpu.region"() ({
          %run_scoped3A_144 = tpu.sem_alloc : memref<!tpu.dma_semaphore, #tpu.memory_space<semaphore_mem>>
          %dma_start3A_145 = arith.constant 0 : i32
          %dma_start3A_146 = arith.constant 0 : i32
          %dma_start3A_147 = tpu.memref_slice %arg8[%run_scoped3A_116, %dma_start3A_145, %dma_start3A_146] : memref<2x128x128xf32, #tpu.memory_space<vmem>> -> memref<1x128x128xf32, #tpu.memory_space<vmem>>
          %dma_start3A_148 = tpu.memref_squeeze %dma_start3A_147 : memref<1x128x128xf32, #tpu.memory_space<vmem>> -> memref<128x128xf32, #tpu.memory_space<vmem>>
          %dma_start3A_149 = arith.constant 0 : i32
          %dma_start3A_150 = tpu.memref_slice %arg7[%mul3A_105, %dma_start3A_149] : memref<32x128xi32, #tpu.memory_space<vmem>> -> memref<1x128xi32, #tpu.memory_space<vmem>>
          %dma_start3A_151 = tpu.memref_squeeze %dma_start3A_150 : memref<1x128xi32, #tpu.memory_space<vmem>> -> memref<128xi32, #tpu.memory_space<vmem>>
          %dma_start3A_152 = arith.constant 0 : i32
          %dma_start3A_153 = arith.constant 0 : i32
          %dma_start3A_154 = tpu.memref_slice %arg9[%dma_start3A_152, %dma_start3A_153] : memref<10112x128xf32, #tpu.memory_space<vmem_shared>> -> memref<10112x128xf32, #tpu.memory_space<vmem_shared>>
          tpu.enqueue_indirect_dma source(%dma_start3A_148 : memref<128x128xf32, #tpu.memory_space<vmem>>) target(%dma_start3A_154 : memref<10112x128xf32, #tpu.memory_space<vmem_shared>>) offsets(%dma_start3A_151 : memref<128xi32, #tpu.memory_space<vmem>>) semaphore(%run_scoped3A_144 : memref<!tpu.dma_semaphore, #tpu.memory_space<semaphore_mem>>) {add = true}
          %dma_wait3A_155 = arith.constant 0 : i32
          %dma_wait3A_156 = arith.constant 0 : i32
          %dma_wait3A_157 = tpu.memref_slice %arg8[%run_scoped3A_116, %dma_wait3A_155, %dma_wait3A_156] : memref<2x128x128xf32, #tpu.memory_space<vmem>> -> memref<1x128x128xf32, #tpu.memory_space<vmem>>
          %dma_wait3A_158 = tpu.memref_squeeze %dma_wait3A_157 : memref<1x128x128xf32, #tpu.memory_space<vmem>> -> memref<128x128xf32, #tpu.memory_space<vmem>>
          %dma_wait3A_159 = arith.constant 0 : i32
          %dma_wait3A_160 = tpu.memref_slice %arg7[%mul3A_105, %dma_wait3A_159] : memref<32x128xi32, #tpu.memory_space<vmem>> -> memref<1x128xi32, #tpu.memory_space<vmem>>
          %dma_wait3A_161 = tpu.memref_squeeze %dma_wait3A_160 : memref<1x128xi32, #tpu.memory_space<vmem>> -> memref<128xi32, #tpu.memory_space<vmem>>
          %dma_wait3A_162 = arith.constant 0 : i32
          %dma_wait3A_163 = arith.constant 0 : i32
          %dma_wait3A_164 = tpu.memref_slice %arg9[%dma_wait3A_162, %dma_wait3A_163] : memref<10112x128xf32, #tpu.memory_space<vmem_shared>> -> memref<10112x128xf32, #tpu.memory_space<vmem_shared>>
          tpu.wait_indirect_dma semaphore(%run_scoped3A_144 : memref<!tpu.dma_semaphore, #tpu.memory_space<semaphore_mem>>) src(%dma_wait3A_158 : memref<128x128xf32, #tpu.memory_space<vmem>>) dst(%dma_wait3A_164 : memref<10112x128xf32, #tpu.memory_space<vmem_shared>>)
          tpu.yield
        }) : () -> ()
        %add3A_117 = arith.constant 2 : i32
        %add3A_118 = arith.addi %mul3A_105, %add3A_117 : i32
        %lt3A = arith.constant 32 : i32
        %lt3A_119 = arith.cmpi slt, %add3A_118, %lt3A : i32
        %convert_element_type3A = arith.extui %lt3A_119 : i1 to i32
        %cond3A = arith.constant 0 : i32
        %cond3A_120 = arith.cmpi ne, %convert_element_type3A, %cond3A : i32
        scf.if %cond3A_120 {
          %add3A_144 = arith.constant 2 : i32
          %add3A_145 = arith.addi %mul3A_105, %add3A_144 : i32
          %dma_start3A_146 = arith.constant 0 : i32
          %dma_start3A_147 = arith.constant 0 : i32
          %dma_start3A_148 = arith.constant 0 : i32
          %dma_start3A_149 = tpu.memref_slice %arg8[%dma_start3A_146, %dma_start3A_147, %dma_start3A_148] : memref<2x128x128xf32, #tpu.memory_space<vmem>> -> memref<1x128x128xf32, #tpu.memory_space<vmem>>
          %dma_start3A_150 = tpu.memref_squeeze %dma_start3A_149 : memref<1x128x128xf32, #tpu.memory_space<vmem>> -> memref<128x128xf32, #tpu.memory_space<vmem>>
          %dma_start3A_151 = arith.constant 0 : i32
          %dma_start3A_152 = tpu.memref_slice %arg6[%add3A_145, %dma_start3A_151] : memref<32x128xi32, #tpu.memory_space<vmem>> -> memref<1x128xi32, #tpu.memory_space<vmem>>
          %dma_start3A_153 = tpu.memref_squeeze %dma_start3A_152 : memref<1x128xi32, #tpu.memory_space<vmem>> -> memref<128xi32, #tpu.memory_space<vmem>>
          %dma_start3A_154 = arith.constant 0 : i32
          %dma_start3A_155 = arith.constant 0 : i32
          %dma_start3A_156 = tpu.memref_slice %arg4[%dma_start3A_154, %dma_start3A_155] : memref<10000x128xf32, #tpu.memory_space<hbm>> -> memref<10000x128xf32, #tpu.memory_space<hbm>>
          tpu.enqueue_indirect_dma source(%dma_start3A_156 : memref<10000x128xf32, #tpu.memory_space<hbm>>) target(%dma_start3A_150 : memref<128x128xf32, #tpu.memory_space<vmem>>) offsets(%dma_start3A_153 : memref<128xi32, #tpu.memory_space<vmem>>) semaphore(%arg10 : memref<!tpu.dma_semaphore, #tpu.memory_space<semaphore_mem>>)
        } else {
        }
        %add3A_121 = arith.constant 1 : i32
        %add3A_122 = arith.addi %mul3A_105, %add3A_121 : i32
        %dma_wait3A_123 = arith.constant 1 : i32
        %dma_wait3A_124 = arith.constant 0 : i32
        %dma_wait3A_125 = arith.constant 0 : i32
        %dma_wait3A_126 = tpu.memref_slice %arg8[%dma_wait3A_123, %dma_wait3A_124, %dma_wait3A_125] : memref<2x128x128xf32, #tpu.memory_space<vmem>> -> memref<1x128x128xf32, #tpu.memory_space<vmem>>
        %dma_wait3A_127 = tpu.memref_squeeze %dma_wait3A_126 : memref<1x128x128xf32, #tpu.memory_space<vmem>> -> memref<128x128xf32, #tpu.memory_space<vmem>>
        %dma_wait3A_128 = arith.constant 0 : i32
        %dma_wait3A_129 = tpu.memref_slice %arg6[%add3A_122, %dma_wait3A_128] : memref<32x128xi32, #tpu.memory_space<vmem>> -> memref<1x128xi32, #tpu.memory_space<vmem>>
        %dma_wait3A_130 = tpu.memref_squeeze %dma_wait3A_129 : memref<1x128xi32, #tpu.memory_space<vmem>> -> memref<128xi32, #tpu.memory_space<vmem>>
        %dma_wait3A_131 = arith.constant 0 : i32
        %dma_wait3A_132 = arith.constant 0 : i32
        %dma_wait3A_133 = tpu.memref_slice %arg4[%dma_wait3A_131, %dma_wait3A_132] : memref<10000x128xf32, #tpu.memory_space<hbm>> -> memref<10000x128xf32, #tpu.memory_space<hbm>>
        tpu.wait_indirect_dma semaphore(%arg11 : memref<!tpu.dma_semaphore, #tpu.memory_space<semaphore_mem>>) src(%dma_wait3A_133 : memref<10000x128xf32, #tpu.memory_space<hbm>>) dst(%dma_wait3A_127 : memref<128x128xf32, #tpu.memory_space<vmem>>)
        %add3A_134 = arith.constant 1 : i32
        %add3A_135 = arith.addi %mul3A_105, %add3A_134 : i32
        %run_scoped3A_136 = arith.constant 1 : i32
        "tpu.region"() ({
          %run_scoped3A_144 = tpu.sem_alloc : memref<!tpu.dma_semaphore, #tpu.memory_space<semaphore_mem>>
          %dma_start3A_145 = arith.constant 0 : i32
          %dma_start3A_146 = arith.constant 0 : i32
          %dma_start3A_147 = tpu.memref_slice %arg8[%run_scoped3A_136, %dma_start3A_145, %dma_start3A_146] : memref<2x128x128xf32, #tpu.memory_space<vmem>> -> memref<1x128x128xf32, #tpu.memory_space<vmem>>
          %dma_start3A_148 = tpu.memref_squeeze %dma_start3A_147 : memref<1x128x128xf32, #tpu.memory_space<vmem>> -> memref<128x128xf32, #tpu.memory_space<vmem>>
          %dma_start3A_149 = arith.constant 0 : i32
          %dma_start3A_150 = tpu.memref_slice %arg7[%add3A_135, %dma_start3A_149] : memref<32x128xi32, #tpu.memory_space<vmem>> -> memref<1x128xi32, #tpu.memory_space<vmem>>
          %dma_start3A_151 = tpu.memref_squeeze %dma_start3A_150 : memref<1x128xi32, #tpu.memory_space<vmem>> -> memref<128xi32, #tpu.memory_space<vmem>>
          %dma_start3A_152 = arith.constant 0 : i32
          %dma_start3A_153 = arith.constant 0 : i32
          %dma_start3A_154 = tpu.memref_slice %arg9[%dma_start3A_152, %dma_start3A_153] : memref<10112x128xf32, #tpu.memory_space<vmem_shared>> -> memref<10112x128xf32, #tpu.memory_space<vmem_shared>>
          tpu.enqueue_indirect_dma source(%dma_start3A_148 : memref<128x128xf32, #tpu.memory_space<vmem>>) target(%dma_start3A_154 : memref<10112x128xf32, #tpu.memory_space<vmem_shared>>) offsets(%dma_start3A_151 : memref<128xi32, #tpu.memory_space<vmem>>) semaphore(%run_scoped3A_144 : memref<!tpu.dma_semaphore, #tpu.memory_space<semaphore_mem>>) {add = true}
          %dma_wait3A_155 = arith.constant 0 : i32
          %dma_wait3A_156 = arith.constant 0 : i32
          %dma_wait3A_157 = tpu.memref_slice %arg8[%run_scoped3A_136, %dma_wait3A_155, %dma_wait3A_156] : memref<2x128x128xf32, #tpu.memory_space<vmem>> -> memref<1x128x128xf32, #tpu.memory_space<vmem>>
          %dma_wait3A_158 = tpu.memref_squeeze %dma_wait3A_157 : memref<1x128x128xf32, #tpu.memory_space<vmem>> -> memref<128x128xf32, #tpu.memory_space<vmem>>
          %dma_wait3A_159 = arith.constant 0 : i32
          %dma_wait3A_160 = tpu.memref_slice %arg7[%add3A_135, %dma_wait3A_159] : memref<32x128xi32, #tpu.memory_space<vmem>> -> memref<1x128xi32, #tpu.memory_space<vmem>>
          %dma_wait3A_161 = tpu.memref_squeeze %dma_wait3A_160 : memref<1x128xi32, #tpu.memory_space<vmem>> -> memref<128xi32, #tpu.memory_space<vmem>>
          %dma_wait3A_162 = arith.constant 0 : i32
          %dma_wait3A_163 = arith.constant 0 : i32
          %dma_wait3A_164 = tpu.memref_slice %arg9[%dma_wait3A_162, %dma_wait3A_163] : memref<10112x128xf32, #tpu.memory_space<vmem_shared>> -> memref<10112x128xf32, #tpu.memory_space<vmem_shared>>
          tpu.wait_indirect_dma semaphore(%run_scoped3A_144 : memref<!tpu.dma_semaphore, #tpu.memory_space<semaphore_mem>>) src(%dma_wait3A_158 : memref<128x128xf32, #tpu.memory_space<vmem>>) dst(%dma_wait3A_164 : memref<10112x128xf32, #tpu.memory_space<vmem_shared>>)
          tpu.yield
        }) : () -> ()
        %add3A_137 = arith.constant 3 : i32
        %add3A_138 = arith.addi %mul3A_105, %add3A_137 : i32
        %lt3A_139 = arith.constant 32 : i32
        %lt3A_140 = arith.cmpi slt, %add3A_138, %lt3A_139 : i32
        %convert_element_type3A_141 = arith.extui %lt3A_140 : i1 to i32
        %cond3A_142 = arith.constant 0 : i32
        %cond3A_143 = arith.cmpi ne, %convert_element_type3A_141, %cond3A_142 : i32
        scf.if %cond3A_143 {
          %add3A_144 = arith.constant 3 : i32
          %add3A_145 = arith.addi %mul3A_105, %add3A_144 : i32
          %dma_start3A_146 = arith.constant 1 : i32
          %dma_start3A_147 = arith.constant 0 : i32
          %dma_start3A_148 = arith.constant 0 : i32
          %dma_start3A_149 = tpu.memref_slice %arg8[%dma_start3A_146, %dma_start3A_147, %dma_start3A_148] : memref<2x128x128xf32, #tpu.memory_space<vmem>> -> memref<1x128x128xf32, #tpu.memory_space<vmem>>
          %dma_start3A_150 = tpu.memref_squeeze %dma_start3A_149 : memref<1x128x128xf32, #tpu.memory_space<vmem>> -> memref<128x128xf32, #tpu.memory_space<vmem>>
          %dma_start3A_151 = arith.constant 0 : i32
          %dma_start3A_152 = tpu.memref_slice %arg6[%add3A_145, %dma_start3A_151] : memref<32x128xi32, #tpu.memory_space<vmem>> -> memref<1x128xi32, #tpu.memory_space<vmem>>
          %dma_start3A_153 = tpu.memref_squeeze %dma_start3A_152 : memref<1x128xi32, #tpu.memory_space<vmem>> -> memref<128xi32, #tpu.memory_space<vmem>>
          %dma_start3A_154 = arith.constant 0 : i32
          %dma_start3A_155 = arith.constant 0 : i32
          %dma_start3A_156 = tpu.memref_slice %arg4[%dma_start3A_154, %dma_start3A_155] : memref<10000x128xf32, #tpu.memory_space<hbm>> -> memref<10000x128xf32, #tpu.memory_space<hbm>>
          tpu.enqueue_indirect_dma source(%dma_start3A_156 : memref<10000x128xf32, #tpu.memory_space<hbm>>) target(%dma_start3A_150 : memref<128x128xf32, #tpu.memory_space<vmem>>) offsets(%dma_start3A_153 : memref<128xi32, #tpu.memory_space<vmem>>) semaphore(%arg11 : memref<!tpu.dma_semaphore, #tpu.memory_space<semaphore_mem>>)
        } else {
        }
      }
      %scan3A_102 = arith.constant 16 : i32
    }
    %while3A_33 = arith.constant 1 : i32
    scf.for %while3A_69 = %while3A_31 to %while3A_27 step %while3A_33  : i32 {
      %mul3A_70 = arith.constant 32 : i32
      %mul3A_71 = arith.muli %while3A_69, %mul3A_70 : i32
      "tpu.region"() ({
        %run_scoped3A_103 = tpu.sem_alloc : memref<!tpu.dma_semaphore, #tpu.memory_space<semaphore_mem>>
        %dma_start3A_104 = arith.constant 0 : i32
        %dma_start3A_105 = tpu.memref_slice %arg2[%add3A, %mul3A_71, %dma_start3A_104] : memref<32x128x128xi32, #tpu.memory_space<hbm>> -> memref<1x32x128xi32, #tpu.memory_space<hbm>>
        %dma_start3A_106 = tpu.memref_squeeze %dma_start3A_105 : memref<1x32x128xi32, #tpu.memory_space<hbm>> -> memref<32x128xi32, #tpu.memory_space<hbm>>
        %dma_start3A_107 = arith.constant 0 : i32
        %dma_start3A_108 = tpu.memref_slice %arg2[%add3A, %mul3A_71, %dma_start3A_107] : memref<32x128x128xi32, #tpu.memory_space<hbm>> -> memref<1x32x128xi32, #tpu.memory_space<hbm>>
        %dma_start3A_109 = tpu.memref_squeeze %dma_start3A_108 : memref<1x32x128xi32, #tpu.memory_space<hbm>> -> memref<32x128xi32, #tpu.memory_space<hbm>>
        tpu.enqueue_dma source(%dma_start3A_109 : memref<32x128xi32, #tpu.memory_space<hbm>>) target(%arg6 : memref<32x128xi32, #tpu.memory_space<vmem>>) target_semaphore(%run_scoped3A_103 : memref<!tpu.dma_semaphore, #tpu.memory_space<semaphore_mem>>)
        %dma_wait3A = arith.constant 0 : i32
        %dma_wait3A_110 = tpu.memref_slice %arg2[%add3A, %mul3A_71, %dma_wait3A] : memref<32x128x128xi32, #tpu.memory_space<hbm>> -> memref<1x32x128xi32, #tpu.memory_space<hbm>>
        %dma_wait3A_111 = tpu.memref_squeeze %dma_wait3A_110 : memref<1x32x128xi32, #tpu.memory_space<hbm>> -> memref<32x128xi32, #tpu.memory_space<hbm>>
        %dma_wait3A_112 = arith.constant 0 : i32
        %dma_wait3A_113 = tpu.memref_slice %arg2[%add3A, %mul3A_71, %dma_wait3A_112] : memref<32x128x128xi32, #tpu.memory_space<hbm>> -> memref<1x32x128xi32, #tpu.memory_space<hbm>>
        %dma_wait3A_114 = tpu.memref_squeeze %dma_wait3A_113 : memref<1x32x128xi32, #tpu.memory_space<hbm>> -> memref<32x128xi32, #tpu.memory_space<hbm>>
        tpu.wait_dma2 semaphore(%run_scoped3A_103 : memref<!tpu.dma_semaphore, #tpu.memory_space<semaphore_mem>>) src(%dma_wait3A_114 : memref<32x128xi32, #tpu.memory_space<hbm>>) dst(%arg6 : memref<32x128xi32, #tpu.memory_space<vmem>>)
        tpu.yield
      }) : () -> ()
      %mul3A_72 = arith.constant 32 : i32
      %mul3A_73 = arith.muli %while3A_69, %mul3A_72 : i32
      "tpu.region"() ({
        %run_scoped3A_103 = tpu.sem_alloc : memref<!tpu.dma_semaphore, #tpu.memory_space<semaphore_mem>>
        %dma_start3A_104 = arith.constant 0 : i32
        %dma_start3A_105 = tpu.memref_slice %arg3[%add3A, %mul3A_73, %dma_start3A_104] : memref<32x128x128xi32, #tpu.memory_space<hbm>> -> memref<1x32x128xi32, #tpu.memory_space<hbm>>
        %dma_start3A_106 = tpu.memref_squeeze %dma_start3A_105 : memref<1x32x128xi32, #tpu.memory_space<hbm>> -> memref<32x128xi32, #tpu.memory_space<hbm>>
        %dma_start3A_107 = arith.constant 0 : i32
        %dma_start3A_108 = tpu.memref_slice %arg3[%add3A, %mul3A_73, %dma_start3A_107] : memref<32x128x128xi32, #tpu.memory_space<hbm>> -> memref<1x32x128xi32, #tpu.memory_space<hbm>>
        %dma_start3A_109 = tpu.memref_squeeze %dma_start3A_108 : memref<1x32x128xi32, #tpu.memory_space<hbm>> -> memref<32x128xi32, #tpu.memory_space<hbm>>
        tpu.enqueue_dma source(%dma_start3A_109 : memref<32x128xi32, #tpu.memory_space<hbm>>) target(%arg7 : memref<32x128xi32, #tpu.memory_space<vmem>>) target_semaphore(%run_scoped3A_103 : memref<!tpu.dma_semaphore, #tpu.memory_space<semaphore_mem>>)
        %dma_wait3A = arith.constant 0 : i32
        %dma_wait3A_110 = tpu.memref_slice %arg3[%add3A, %mul3A_73, %dma_wait3A] : memref<32x128x128xi32, #tpu.memory_space<hbm>> -> memref<1x32x128xi32, #tpu.memory_space<hbm>>
        %dma_wait3A_111 = tpu.memref_squeeze %dma_wait3A_110 : memref<1x32x128xi32, #tpu.memory_space<hbm>> -> memref<32x128xi32, #tpu.memory_space<hbm>>
        %dma_wait3A_112 = arith.constant 0 : i32
        %dma_wait3A_113 = tpu.memref_slice %arg3[%add3A, %mul3A_73, %dma_wait3A_112] : memref<32x128x128xi32, #tpu.memory_space<hbm>> -> memref<1x32x128xi32, #tpu.memory_space<hbm>>
        %dma_wait3A_114 = tpu.memref_squeeze %dma_wait3A_113 : memref<1x32x128xi32, #tpu.memory_space<hbm>> -> memref<32x128xi32, #tpu.memory_space<hbm>>
        tpu.wait_dma2 semaphore(%run_scoped3A_103 : memref<!tpu.dma_semaphore, #tpu.memory_space<semaphore_mem>>) src(%dma_wait3A_114 : memref<32x128xi32, #tpu.memory_space<hbm>>) dst(%arg7 : memref<32x128xi32, #tpu.memory_space<vmem>>)
        tpu.yield
      }) : () -> ()
      %dma_start3A = arith.constant 0 : i32
      %dma_start3A_74 = arith.constant 0 : i32
      %dma_start3A_75 = arith.constant 0 : i32
      %dma_start3A_76 = arith.constant 0 : i32
      %dma_start3A_77 = tpu.memref_slice %arg8[%dma_start3A_74, %dma_start3A_75, %dma_start3A_76] : memref<2x128x128xf32, #tpu.memory_space<vmem>> -> memref<1x128x128xf32, #tpu.memory_space<vmem>>
      %dma_start3A_78 = tpu.memref_squeeze %dma_start3A_77 : memref<1x128x128xf32, #tpu.memory_space<vmem>> -> memref<128x128xf32, #tpu.memory_space<vmem>>
      %dma_start3A_79 = arith.constant 0 : i32
      %dma_start3A_80 = tpu.memref_slice %arg6[%dma_start3A, %dma_start3A_79] : memref<32x128xi32, #tpu.memory_space<vmem>> -> memref<1x128xi32, #tpu.memory_space<vmem>>
      %dma_start3A_81 = tpu.memref_squeeze %dma_start3A_80 : memref<1x128xi32, #tpu.memory_space<vmem>> -> memref<128xi32, #tpu.memory_space<vmem>>
      %dma_start3A_82 = arith.constant 0 : i32
      %dma_start3A_83 = arith.constant 0 : i32
      %dma_start3A_84 = tpu.memref_slice %arg4[%dma_start3A_82, %dma_start3A_83] : memref<10000x128xf32, #tpu.memory_space<hbm>> -> memref<10000x128xf32, #tpu.memory_space<hbm>>
      tpu.enqueue_indirect_dma source(%dma_start3A_84 : memref<10000x128xf32, #tpu.memory_space<hbm>>) target(%dma_start3A_78 : memref<128x128xf32, #tpu.memory_space<vmem>>) offsets(%dma_start3A_81 : memref<128xi32, #tpu.memory_space<vmem>>) semaphore(%arg10 : memref<!tpu.dma_semaphore, #tpu.memory_space<semaphore_mem>>)
      %dma_start3A_85 = arith.constant 1 : i32
      %dma_start3A_86 = arith.constant 1 : i32
      %dma_start3A_87 = arith.constant 0 : i32
      %dma_start3A_88 = arith.constant 0 : i32
      %dma_start3A_89 = tpu.memref_slice %arg8[%dma_start3A_86, %dma_start3A_87, %dma_start3A_88] : memref<2x128x128xf32, #tpu.memory_space<vmem>> -> memref<1x128x128xf32, #tpu.memory_space<vmem>>
      %dma_start3A_90 = tpu.memref_squeeze %dma_start3A_89 : memref<1x128x128xf32, #tpu.memory_space<vmem>> -> memref<128x128xf32, #tpu.memory_space<vmem>>
      %dma_start3A_91 = arith.constant 0 : i32
      %dma_start3A_92 = tpu.memref_slice %arg6[%dma_start3A_85, %dma_start3A_91] : memref<32x128xi32, #tpu.memory_space<vmem>> -> memref<1x128xi32, #tpu.memory_space<vmem>>
      %dma_start3A_93 = tpu.memref_squeeze %dma_start3A_92 : memref<1x128xi32, #tpu.memory_space<vmem>> -> memref<128xi32, #tpu.memory_space<vmem>>
      %dma_start3A_94 = arith.constant 0 : i32
      %dma_start3A_95 = arith.constant 0 : i32
      %dma_start3A_96 = tpu.memref_slice %arg4[%dma_start3A_94, %dma_start3A_95] : memref<10000x128xf32, #tpu.memory_space<hbm>> -> memref<10000x128xf32, #tpu.memory_space<hbm>>
      tpu.enqueue_indirect_dma source(%dma_start3A_96 : memref<10000x128xf32, #tpu.memory_space<hbm>>) target(%dma_start3A_90 : memref<128x128xf32, #tpu.memory_space<vmem>>) offsets(%dma_start3A_93 : memref<128xi32, #tpu.memory_space<vmem>>) semaphore(%arg11 : memref<!tpu.dma_semaphore, #tpu.memory_space<semaphore_mem>>)
      %scan3A_97 = arith.constant 0 : i32
      %scan3A_98 = arith.constant 0 : i32
      %scan3A_99 = arith.constant 16 : i32
      %scan3A_100 = arith.addi %scan3A_98, %scan3A_99 : i32
      %scan3A_101 = arith.constant 1 : i32
      scf.for %scan3A_103 = %scan3A_98 to %scan3A_100 step %scan3A_101  : i32 {
        %mul3A_104 = arith.constant 2 : i32
        %mul3A_105 = arith.muli %mul3A_104, %scan3A_103 : i32
        %dma_wait3A = arith.constant 0 : i32
        %dma_wait3A_106 = arith.constant 0 : i32
        %dma_wait3A_107 = arith.constant 0 : i32
        %dma_wait3A_108 = tpu.memref_slice %arg8[%dma_wait3A, %dma_wait3A_106, %dma_wait3A_107] : memref<2x128x128xf32, #tpu.memory_space<vmem>> -> memref<1x128x128xf32, #tpu.memory_space<vmem>>
        %dma_wait3A_109 = tpu.memref_squeeze %dma_wait3A_108 : memref<1x128x128xf32, #tpu.memory_space<vmem>> -> memref<128x128xf32, #tpu.memory_space<vmem>>
        %dma_wait3A_110 = arith.constant 0 : i32
        %dma_wait3A_111 = tpu.memref_slice %arg6[%mul3A_105, %dma_wait3A_110] : memref<32x128xi32, #tpu.memory_space<vmem>> -> memref<1x128xi32, #tpu.memory_space<vmem>>
        %dma_wait3A_112 = tpu.memref_squeeze %dma_wait3A_111 : memref<1x128xi32, #tpu.memory_space<vmem>> -> memref<128xi32, #tpu.memory_space<vmem>>
        %dma_wait3A_113 = arith.constant 0 : i32
        %dma_wait3A_114 = arith.constant 0 : i32
        %dma_wait3A_115 = tpu.memref_slice %arg4[%dma_wait3A_113, %dma_wait3A_114] : memref<10000x128xf32, #tpu.memory_space<hbm>> -> memref<10000x128xf32, #tpu.memory_space<hbm>>
        tpu.wait_indirect_dma semaphore(%arg10 : memref<!tpu.dma_semaphore, #tpu.memory_space<semaphore_mem>>) src(%dma_wait3A_115 : memref<10000x128xf32, #tpu.memory_space<hbm>>) dst(%dma_wait3A_109 : memref<128x128xf32, #tpu.memory_space<vmem>>)
        %run_scoped3A_116 = arith.constant 0 : i32
        "tpu.region"() ({
          %run_scoped3A_144 = tpu.sem_alloc : memref<!tpu.dma_semaphore, #tpu.memory_space<semaphore_mem>>
          %dma_start3A_145 = arith.constant 0 : i32
          %dma_start3A_146 = arith.constant 0 : i32
          %dma_start3A_147 = tpu.memref_slice %arg8[%run_scoped3A_116, %dma_start3A_145, %dma_start3A_146] : memref<2x128x128xf32, #tpu.memory_space<vmem>> -> memref<1x128x128xf32, #tpu.memory_space<vmem>>
          %dma_start3A_148 = tpu.memref_squeeze %dma_start3A_147 : memref<1x128x128xf32, #tpu.memory_space<vmem>> -> memref<128x128xf32, #tpu.memory_space<vmem>>
          %dma_start3A_149 = arith.constant 0 : i32
          %dma_start3A_150 = tpu.memref_slice %arg7[%mul3A_105, %dma_start3A_149] : memref<32x128xi32, #tpu.memory_space<vmem>> -> memref<1x128xi32, #tpu.memory_space<vmem>>
          %dma_start3A_151 = tpu.memref_squeeze %dma_start3A_150 : memref<1x128xi32, #tpu.memory_space<vmem>> -> memref<128xi32, #tpu.memory_space<vmem>>
          %dma_start3A_152 = arith.constant 0 : i32
          %dma_start3A_153 = arith.constant 0 : i32
          %dma_start3A_154 = tpu.memref_slice %arg9[%dma_start3A_152, %dma_start3A_153] : memref<10112x128xf32, #tpu.memory_space<vmem_shared>> -> memref<10112x128xf32, #tpu.memory_space<vmem_shared>>
          tpu.enqueue_indirect_dma source(%dma_start3A_148 : memref<128x128xf32, #tpu.memory_space<vmem>>) target(%dma_start3A_154 : memref<10112x128xf32, #tpu.memory_space<vmem_shared>>) offsets(%dma_start3A_151 : memref<128xi32, #tpu.memory_space<vmem>>) semaphore(%run_scoped3A_144 : memref<!tpu.dma_semaphore, #tpu.memory_space<semaphore_mem>>) {add = true}
          %dma_wait3A_155 = arith.constant 0 : i32
          %dma_wait3A_156 = arith.constant 0 : i32
          %dma_wait3A_157 = tpu.memref_slice %arg8[%run_scoped3A_116, %dma_wait3A_155, %dma_wait3A_156] : memref<2x128x128xf32, #tpu.memory_space<vmem>> -> memref<1x128x128xf32, #tpu.memory_space<vmem>>
          %dma_wait3A_158 = tpu.memref_squeeze %dma_wait3A_157 : memref<1x128x128xf32, #tpu.memory_space<vmem>> -> memref<128x128xf32, #tpu.memory_space<vmem>>
          %dma_wait3A_159 = arith.constant 0 : i32
          %dma_wait3A_160 = tpu.memref_slice %arg7[%mul3A_105, %dma_wait3A_159] : memref<32x128xi32, #tpu.memory_space<vmem>> -> memref<1x128xi32, #tpu.memory_space<vmem>>
          %dma_wait3A_161 = tpu.memref_squeeze %dma_wait3A_160 : memref<1x128xi32, #tpu.memory_space<vmem>> -> memref<128xi32, #tpu.memory_space<vmem>>
          %dma_wait3A_162 = arith.constant 0 : i32
          %dma_wait3A_163 = arith.constant 0 : i32
          %dma_wait3A_164 = tpu.memref_slice %arg9[%dma_wait3A_162, %dma_wait3A_163] : memref<10112x128xf32, #tpu.memory_space<vmem_shared>> -> memref<10112x128xf32, #tpu.memory_space<vmem_shared>>
          tpu.wait_indirect_dma semaphore(%run_scoped3A_144 : memref<!tpu.dma_semaphore, #tpu.memory_space<semaphore_mem>>) src(%dma_wait3A_158 : memref<128x128xf32, #tpu.memory_space<vmem>>) dst(%dma_wait3A_164 : memref<10112x128xf32, #tpu.memory_space<vmem_shared>>)
          tpu.yield
        }) : () -> ()
        %add3A_117 = arith.constant 2 : i32
        %add3A_118 = arith.addi %mul3A_105, %add3A_117 : i32
        %lt3A = arith.constant 32 : i32
        %lt3A_119 = arith.cmpi slt, %add3A_118, %lt3A : i32
        %convert_element_type3A = arith.extui %lt3A_119 : i1 to i32
        %cond3A = arith.constant 0 : i32
        %cond3A_120 = arith.cmpi ne, %convert_element_type3A, %cond3A : i32
        scf.if %cond3A_120 {
          %add3A_144 = arith.constant 2 : i32
          %add3A_145 = arith.addi %mul3A_105, %add3A_144 : i32
          %dma_start3A_146 = arith.constant 0 : i32
          %dma_start3A_147 = arith.constant 0 : i32
          %dma_start3A_148 = arith.constant 0 : i32
          %dma_start3A_149 = tpu.memref_slice %arg8[%dma_start3A_146, %dma_start3A_147, %dma_start3A_148] : memref<2x128x128xf32, #tpu.memory_space<vmem>> -> memref<1x128x128xf32, #tpu.memory_space<vmem>>
          %dma_start3A_150 = tpu.memref_squeeze %dma_start3A_149 : memref<1x128x128xf32, #tpu.memory_space<vmem>> -> memref<128x128xf32, #tpu.memory_space<vmem>>
          %dma_start3A_151 = arith.constant 0 : i32
          %dma_start3A_152 = tpu.memref_slice %arg6[%add3A_145, %dma_start3A_151] : memref<32x128xi32, #tpu.memory_space<vmem>> -> memref<1x128xi32, #tpu.memory_space<vmem>>
          %dma_start3A_153 = tpu.memref_squeeze %dma_start3A_152 : memref<1x128xi32, #tpu.memory_space<vmem>> -> memref<128xi32, #tpu.memory_space<vmem>>
          %dma_start3A_154 = arith.constant 0 : i32
          %dma_start3A_155 = arith.constant 0 : i32
          %dma_start3A_156 = tpu.memref_slice %arg4[%dma_start3A_154, %dma_start3A_155] : memref<10000x128xf32, #tpu.memory_space<hbm>> -> memref<10000x128xf32, #tpu.memory_space<hbm>>
          tpu.enqueue_indirect_dma source(%dma_start3A_156 : memref<10000x128xf32, #tpu.memory_space<hbm>>) target(%dma_start3A_150 : memref<128x128xf32, #tpu.memory_space<vmem>>) offsets(%dma_start3A_153 : memref<128xi32, #tpu.memory_space<vmem>>) semaphore(%arg10 : memref<!tpu.dma_semaphore, #tpu.memory_space<semaphore_mem>>)
        } else {
        }
        %add3A_121 = arith.constant 1 : i32
        %add3A_122 = arith.addi %mul3A_105, %add3A_121 : i32
        %dma_wait3A_123 = arith.constant 1 : i32
        %dma_wait3A_124 = arith.constant 0 : i32
        %dma_wait3A_125 = arith.constant 0 : i32
        %dma_wait3A_126 = tpu.memref_slice %arg8[%dma_wait3A_123, %dma_wait3A_124, %dma_wait3A_125] : memref<2x128x128xf32, #tpu.memory_space<vmem>> -> memref<1x128x128xf32, #tpu.memory_space<vmem>>
        %dma_wait3A_127 = tpu.memref_squeeze %dma_wait3A_126 : memref<1x128x128xf32, #tpu.memory_space<vmem>> -> memref<128x128xf32, #tpu.memory_space<vmem>>
        %dma_wait3A_128 = arith.constant 0 : i32
        %dma_wait3A_129 = tpu.memref_slice %arg6[%add3A_122, %dma_wait3A_128] : memref<32x128xi32, #tpu.memory_space<vmem>> -> memref<1x128xi32, #tpu.memory_space<vmem>>
        %dma_wait3A_130 = tpu.memref_squeeze %dma_wait3A_129 : memref<1x128xi32, #tpu.memory_space<vmem>> -> memref<128xi32, #tpu.memory_space<vmem>>
        %dma_wait3A_131 = arith.constant 0 : i32
        %dma_wait3A_132 = arith.constant 0 : i32
        %dma_wait3A_133 = tpu.memref_slice %arg4[%dma_wait3A_131, %dma_wait3A_132] : memref<10000x128xf32, #tpu.memory_space<hbm>> -> memref<10000x128xf32, #tpu.memory_space<hbm>>
        tpu.wait_indirect_dma semaphore(%arg11 : memref<!tpu.dma_semaphore, #tpu.memory_space<semaphore_mem>>) src(%dma_wait3A_133 : memref<10000x128xf32, #tpu.memory_space<hbm>>) dst(%dma_wait3A_127 : memref<128x128xf32, #tpu.memory_space<vmem>>)
        %add3A_134 = arith.constant 1 : i32
        %add3A_135 = arith.addi %mul3A_105, %add3A_134 : i32
        %run_scoped3A_136 = arith.constant 1 : i32
        "tpu.region"() ({
          %run_scoped3A_144 = tpu.sem_alloc : memref<!tpu.dma_semaphore, #tpu.memory_space<semaphore_mem>>
          %dma_start3A_145 = arith.constant 0 : i32
          %dma_start3A_146 = arith.constant 0 : i32
          %dma_start3A_147 = tpu.memref_slice %arg8[%run_scoped3A_136, %dma_start3A_145, %dma_start3A_146] : memref<2x128x128xf32, #tpu.memory_space<vmem>> -> memref<1x128x128xf32, #tpu.memory_space<vmem>>
          %dma_start3A_148 = tpu.memref_squeeze %dma_start3A_147 : memref<1x128x128xf32, #tpu.memory_space<vmem>> -> memref<128x128xf32, #tpu.memory_space<vmem>>
          %dma_start3A_149 = arith.constant 0 : i32
          %dma_start3A_150 = tpu.memref_slice %arg7[%add3A_135, %dma_start3A_149] : memref<32x128xi32, #tpu.memory_space<vmem>> -> memref<1x128xi32, #tpu.memory_space<vmem>>
          %dma_start3A_151 = tpu.memref_squeeze %dma_start3A_150 : memref<1x128xi32, #tpu.memory_space<vmem>> -> memref<128xi32, #tpu.memory_space<vmem>>
          %dma_start3A_152 = arith.constant 0 : i32
          %dma_start3A_153 = arith.constant 0 : i32
          %dma_start3A_154 = tpu.memref_slice %arg9[%dma_start3A_152, %dma_start3A_153] : memref<10112x128xf32, #tpu.memory_space<vmem_shared>> -> memref<10112x128xf32, #tpu.memory_space<vmem_shared>>
          tpu.enqueue_indirect_dma source(%dma_start3A_148 : memref<128x128xf32, #tpu.memory_space<vmem>>) target(%dma_start3A_154 : memref<10112x128xf32, #tpu.memory_space<vmem_shared>>) offsets(%dma_start3A_151 : memref<128xi32, #tpu.memory_space<vmem>>) semaphore(%run_scoped3A_144 : memref<!tpu.dma_semaphore, #tpu.memory_space<semaphore_mem>>) {add = true}
          %dma_wait3A_155 = arith.constant 0 : i32
          %dma_wait3A_156 = arith.constant 0 : i32
          %dma_wait3A_157 = tpu.memref_slice %arg8[%run_scoped3A_136, %dma_wait3A_155, %dma_wait3A_156] : memref<2x128x128xf32, #tpu.memory_space<vmem>> -> memref<1x128x128xf32, #tpu.memory_space<vmem>>
          %dma_wait3A_158 = tpu.memref_squeeze %dma_wait3A_157 : memref<1x128x128xf32, #tpu.memory_space<vmem>> -> memref<128x128xf32, #tpu.memory_space<vmem>>
          %dma_wait3A_159 = arith.constant 0 : i32
          %dma_wait3A_160 = tpu.memref_slice %arg7[%add3A_135, %dma_wait3A_159] : memref<32x128xi32, #tpu.memory_space<vmem>> -> memref<1x128xi32, #tpu.memory_space<vmem>>
          %dma_wait3A_161 = tpu.memref_squeeze %dma_wait3A_160 : memref<1x128xi32, #tpu.memory_space<vmem>> -> memref<128xi32, #tpu.memory_space<vmem>>
          %dma_wait3A_162 = arith.constant 0 : i32
          %dma_wait3A_163 = arith.constant 0 : i32
          %dma_wait3A_164 = tpu.memref_slice %arg9[%dma_wait3A_162, %dma_wait3A_163] : memref<10112x128xf32, #tpu.memory_space<vmem_shared>> -> memref<10112x128xf32, #tpu.memory_space<vmem_shared>>
          tpu.wait_indirect_dma semaphore(%run_scoped3A_144 : memref<!tpu.dma_semaphore, #tpu.memory_space<semaphore_mem>>) src(%dma_wait3A_158 : memref<128x128xf32, #tpu.memory_space<vmem>>) dst(%dma_wait3A_164 : memref<10112x128xf32, #tpu.memory_space<vmem_shared>>)
          tpu.yield
        }) : () -> ()
        %add3A_137 = arith.constant 3 : i32
        %add3A_138 = arith.addi %mul3A_105, %add3A_137 : i32
        %lt3A_139 = arith.constant 32 : i32
        %lt3A_140 = arith.cmpi slt, %add3A_138, %lt3A_139 : i32
        %convert_element_type3A_141 = arith.extui %lt3A_140 : i1 to i32
        %cond3A_142 = arith.constant 0 : i32
        %cond3A_143 = arith.cmpi ne, %convert_element_type3A_141, %cond3A_142 : i32
        scf.if %cond3A_143 {
          %add3A_144 = arith.constant 3 : i32
          %add3A_145 = arith.addi %mul3A_105, %add3A_144 : i32
          %dma_start3A_146 = arith.constant 1 : i32
          %dma_start3A_147 = arith.constant 0 : i32
          %dma_start3A_148 = arith.constant 0 : i32
          %dma_start3A_149 = tpu.memref_slice %arg8[%dma_start3A_146, %dma_start3A_147, %dma_start3A_148] : memref<2x128x128xf32, #tpu.memory_space<vmem>> -> memref<1x128x128xf32, #tpu.memory_space<vmem>>
          %dma_start3A_150 = tpu.memref_squeeze %dma_start3A_149 : memref<1x128x128xf32, #tpu.memory_space<vmem>> -> memref<128x128xf32, #tpu.memory_space<vmem>>
          %dma_start3A_151 = arith.constant 0 : i32
          %dma_start3A_152 = tpu.memref_slice %arg6[%add3A_145, %dma_start3A_151] : memref<32x128xi32, #tpu.memory_space<vmem>> -> memref<1x128xi32, #tpu.memory_space<vmem>>
          %dma_start3A_153 = tpu.memref_squeeze %dma_start3A_152 : memref<1x128xi32, #tpu.memory_space<vmem>> -> memref<128xi32, #tpu.memory_space<vmem>>
          %dma_start3A_154 = arith.constant 0 : i32
          %dma_start3A_155 = arith.constant 0 : i32
          %dma_start3A_156 = tpu.memref_slice %arg4[%dma_start3A_154, %dma_start3A_155] : memref<10000x128xf32, #tpu.memory_space<hbm>> -> memref<10000x128xf32, #tpu.memory_space<hbm>>
          tpu.enqueue_indirect_dma source(%dma_start3A_156 : memref<10000x128xf32, #tpu.memory_space<hbm>>) target(%dma_start3A_150 : memref<128x128xf32, #tpu.memory_space<vmem>>) offsets(%dma_start3A_153 : memref<128xi32, #tpu.memory_space<vmem>>) semaphore(%arg11 : memref<!tpu.dma_semaphore, #tpu.memory_space<semaphore_mem>>)
        } else {
        }
      }
      %scan3A_102 = arith.constant 16 : i32
    }
    %barrier3A_34 = arith.constant 0 : index
    tpu.barrier barrier_id(%barrier3A_34)
    %add3A_35 = arith.constant 0 : i32
    %add3A_36 = arith.addi %mul3A_7, %add3A_35 : i32
    %run_scoped3A_37 = arith.constant 0 : i32
    "tpu.region"() ({
      %run_scoped3A_69 = tpu.sem_alloc : memref<!tpu.dma_semaphore, #tpu.memory_space<semaphore_mem>>
      %dma_start3A = arith.constant 0 : i32
      %dma_start3A_70 = arith.constant 0 : i32
      %dma_start3A_71 = tpu.memref_slice %arg8[%run_scoped3A_37, %dma_start3A, %dma_start3A_70] : memref<2x128x128xf32, #tpu.memory_space<vmem>> -> memref<1x128x128xf32, #tpu.memory_space<vmem>>
      %dma_start3A_72 = tpu.memref_squeeze %dma_start3A_71 : memref<1x128x128xf32, #tpu.memory_space<vmem>> -> memref<128x128xf32, #tpu.memory_space<vmem>>
      %dma_start3A_73 = arith.constant 0 : i32
      %dma_start3A_74 = tpu.memref_slice %arg9[%add3A_36, %dma_start3A_73] : memref<10112x128xf32, #tpu.memory_space<vmem_shared>> -> memref<128x128xf32, #tpu.memory_space<vmem_shared>>
      %dma_start3A_75 = arith.constant 0 : i32
      %dma_start3A_76 = arith.constant 0 : i32
      %dma_start3A_77 = tpu.memref_slice %arg8[%run_scoped3A_37, %dma_start3A_75, %dma_start3A_76] : memref<2x128x128xf32, #tpu.memory_space<vmem>> -> memref<1x128x128xf32, #tpu.memory_space<vmem>>
      %dma_start3A_78 = tpu.memref_squeeze %dma_start3A_77 : memref<1x128x128xf32, #tpu.memory_space<vmem>> -> memref<128x128xf32, #tpu.memory_space<vmem>>
      %dma_start3A_79 = arith.constant 0 : i32
      %dma_start3A_80 = tpu.memref_slice %arg9[%add3A_36, %dma_start3A_79] : memref<10112x128xf32, #tpu.memory_space<vmem_shared>> -> memref<128x128xf32, #tpu.memory_space<vmem_shared>>
      tpu.enqueue_dma source(%dma_start3A_80 : memref<128x128xf32, #tpu.memory_space<vmem_shared>>) target(%dma_start3A_78 : memref<128x128xf32, #tpu.memory_space<vmem>>) target_semaphore(%run_scoped3A_69 : memref<!tpu.dma_semaphore, #tpu.memory_space<semaphore_mem>>)
      %dma_wait3A = arith.constant 0 : i32
      %dma_wait3A_81 = arith.constant 0 : i32
      %dma_wait3A_82 = tpu.memref_slice %arg8[%run_scoped3A_37, %dma_wait3A, %dma_wait3A_81] : memref<2x128x128xf32, #tpu.memory_space<vmem>> -> memref<1x128x128xf32, #tpu.memory_space<vmem>>
      %dma_wait3A_83 = tpu.memref_squeeze %dma_wait3A_82 : memref<1x128x128xf32, #tpu.memory_space<vmem>> -> memref<128x128xf32, #tpu.memory_space<vmem>>
      %dma_wait3A_84 = arith.constant 0 : i32
      %dma_wait3A_85 = tpu.memref_slice %arg9[%add3A_36, %dma_wait3A_84] : memref<10112x128xf32, #tpu.memory_space<vmem_shared>> -> memref<128x128xf32, #tpu.memory_space<vmem_shared>>
      %dma_wait3A_86 = arith.constant 0 : i32
      %dma_wait3A_87 = arith.constant 0 : i32
      %dma_wait3A_88 = tpu.memref_slice %arg8[%run_scoped3A_37, %dma_wait3A_86, %dma_wait3A_87] : memref<2x128x128xf32, #tpu.memory_space<vmem>> -> memref<1x128x128xf32, #tpu.memory_space<vmem>>
      %dma_wait3A_89 = tpu.memref_squeeze %dma_wait3A_88 : memref<1x128x128xf32, #tpu.memory_space<vmem>> -> memref<128x128xf32, #tpu.memory_space<vmem>>
      %dma_wait3A_90 = arith.constant 0 : i32
      %dma_wait3A_91 = tpu.memref_slice %arg9[%add3A_36, %dma_wait3A_90] : memref<10112x128xf32, #tpu.memory_space<vmem_shared>> -> memref<128x128xf32, #tpu.memory_space<vmem_shared>>
      tpu.wait_dma2 semaphore(%run_scoped3A_69 : memref<!tpu.dma_semaphore, #tpu.memory_space<semaphore_mem>>) src(%dma_wait3A_91 : memref<128x128xf32, #tpu.memory_space<vmem_shared>>) dst(%dma_wait3A_89 : memref<128x128xf32, #tpu.memory_space<vmem>>)
      tpu.yield
    }) : () -> ()
    %add3A_38 = arith.constant 0 : i32
    %add3A_39 = arith.addi %mul3A_7, %add3A_38 : i32
    %run_scoped3A_40 = arith.constant 0 : i32
    "tpu.region"() ({
      %run_scoped3A_69 = tpu.sem_alloc : memref<!tpu.dma_semaphore, #tpu.memory_space<semaphore_mem>>
      %dma_start3A = arith.constant 0 : i32
      %dma_start3A_70 = arith.constant 0 : i32
      %dma_start3A_71 = tpu.memref_slice %arg8[%run_scoped3A_40, %dma_start3A, %dma_start3A_70] : memref<2x128x128xf32, #tpu.memory_space<vmem>> -> memref<1x128x128xf32, #tpu.memory_space<vmem>>
      %dma_start3A_72 = tpu.memref_squeeze %dma_start3A_71 : memref<1x128x128xf32, #tpu.memory_space<vmem>> -> memref<128x128xf32, #tpu.memory_space<vmem>>
      %dma_start3A_73 = arith.constant 0 : i32
      %dma_start3A_74 = tpu.memref_slice %arg5[%arg0, %add3A_39, %dma_start3A_73] : memref<2x10112x128xf32, #tpu.memory_space<hbm>> -> memref<1x128x128xf32, #tpu.memory_space<hbm>>
      %dma_start3A_75 = tpu.memref_squeeze %dma_start3A_74 : memref<1x128x128xf32, #tpu.memory_space<hbm>> -> memref<128x128xf32, #tpu.memory_space<hbm>>
      %dma_start3A_76 = arith.constant 0 : i32
      %dma_start3A_77 = tpu.memref_slice %arg5[%arg0, %add3A_39, %dma_start3A_76] : memref<2x10112x128xf32, #tpu.memory_space<hbm>> -> memref<1x128x128xf32, #tpu.memory_space<hbm>>
      %dma_start3A_78 = tpu.memref_squeeze %dma_start3A_77 : memref<1x128x128xf32, #tpu.memory_space<hbm>> -> memref<128x128xf32, #tpu.memory_space<hbm>>
      %dma_start3A_79 = arith.constant 0 : i32
      %dma_start3A_80 = arith.constant 0 : i32
      %dma_start3A_81 = tpu.memref_slice %arg8[%run_scoped3A_40, %dma_start3A_79, %dma_start3A_80] : memref<2x128x128xf32, #tpu.memory_space<vmem>> -> memref<1x128x128xf32, #tpu.memory_space<vmem>>
      %dma_start3A_82 = tpu.memref_squeeze %dma_start3A_81 : memref<1x128x128xf32, #tpu.memory_space<vmem>> -> memref<128x128xf32, #tpu.memory_space<vmem>>
      tpu.enqueue_dma source(%dma_start3A_82 : memref<128x128xf32, #tpu.memory_space<vmem>>) target(%dma_start3A_78 : memref<128x128xf32, #tpu.memory_space<hbm>>) target_semaphore(%run_scoped3A_69 : memref<!tpu.dma_semaphore, #tpu.memory_space<semaphore_mem>>)
      %dma_wait3A = arith.constant 0 : i32
      %dma_wait3A_83 = arith.constant 0 : i32
      %dma_wait3A_84 = tpu.memref_slice %arg8[%run_scoped3A_40, %dma_wait3A, %dma_wait3A_83] : memref<2x128x128xf32, #tpu.memory_space<vmem>> -> memref<1x128x128xf32, #tpu.memory_space<vmem>>
      %dma_wait3A_85 = tpu.memref_squeeze %dma_wait3A_84 : memref<1x128x128xf32, #tpu.memory_space<vmem>> -> memref<128x128xf32, #tpu.memory_space<vmem>>
      %dma_wait3A_86 = arith.constant 0 : i32
      %dma_wait3A_87 = tpu.memref_slice %arg5[%arg0, %add3A_39, %dma_wait3A_86] : memref<2x10112x128xf32, #tpu.memory_space<hbm>> -> memref<1x128x128xf32, #tpu.memory_space<hbm>>
      %dma_wait3A_88 = tpu.memref_squeeze %dma_wait3A_87 : memref<1x128x128xf32, #tpu.memory_space<hbm>> -> memref<128x128xf32, #tpu.memory_space<hbm>>
      %dma_wait3A_89 = arith.constant 0 : i32
      %dma_wait3A_90 = tpu.memref_slice %arg5[%arg0, %add3A_39, %dma_wait3A_89] : memref<2x10112x128xf32, #tpu.memory_space<hbm>> -> memref<1x128x128xf32, #tpu.memory_space<hbm>>
      %dma_wait3A_91 = tpu.memref_squeeze %dma_wait3A_90 : memref<1x128x128xf32, #tpu.memory_space<hbm>> -> memref<128x128xf32, #tpu.memory_space<hbm>>
      %dma_wait3A_92 = arith.constant 0 : i32
      %dma_wait3A_93 = arith.constant 0 : i32
      %dma_wait3A_94 = tpu.memref_slice %arg8[%run_scoped3A_40, %dma_wait3A_92, %dma_wait3A_93] : memref<2x128x128xf32, #tpu.memory_space<vmem>> -> memref<1x128x128xf32, #tpu.memory_space<vmem>>
      %dma_wait3A_95 = tpu.memref_squeeze %dma_wait3A_94 : memref<1x128x128xf32, #tpu.memory_space<vmem>> -> memref<128x128xf32, #tpu.memory_space<vmem>>
      tpu.wait_dma2 semaphore(%run_scoped3A_69 : memref<!tpu.dma_semaphore, #tpu.memory_space<semaphore_mem>>) src(%dma_wait3A_95 : memref<128x128xf32, #tpu.memory_space<vmem>>) dst(%dma_wait3A_91 : memref<128x128xf32, #tpu.memory_space<hbm>>)
      tpu.yield
    }) : () -> ()
    %add3A_41 = arith.constant 128 : i32
    %add3A_42 = arith.addi %mul3A_7, %add3A_41 : i32
    %run_scoped3A_43 = arith.constant 0 : i32
    "tpu.region"() ({
      %run_scoped3A_69 = tpu.sem_alloc : memref<!tpu.dma_semaphore, #tpu.memory_space<semaphore_mem>>
      %dma_start3A = arith.constant 0 : i32
      %dma_start3A_70 = arith.constant 0 : i32
      %dma_start3A_71 = tpu.memref_slice %arg8[%run_scoped3A_43, %dma_start3A, %dma_start3A_70] : memref<2x128x128xf32, #tpu.memory_space<vmem>> -> memref<1x128x128xf32, #tpu.memory_space<vmem>>
      %dma_start3A_72 = tpu.memref_squeeze %dma_start3A_71 : memref<1x128x128xf32, #tpu.memory_space<vmem>> -> memref<128x128xf32, #tpu.memory_space<vmem>>
      %dma_start3A_73 = arith.constant 0 : i32
      %dma_start3A_74 = tpu.memref_slice %arg9[%add3A_42, %dma_start3A_73] : memref<10112x128xf32, #tpu.memory_space<vmem_shared>> -> memref<128x128xf32, #tpu.memory_space<vmem_shared>>
      %dma_start3A_75 = arith.constant 0 : i32
      %dma_start3A_76 = arith.constant 0 : i32
      %dma_start3A_77 = tpu.memref_slice %arg8[%run_scoped3A_43, %dma_start3A_75, %dma_start3A_76] : memref<2x128x128xf32, #tpu.memory_space<vmem>> -> memref<1x128x128xf32, #tpu.memory_space<vmem>>
      %dma_start3A_78 = tpu.memref_squeeze %dma_start3A_77 : memref<1x128x128xf32, #tpu.memory_space<vmem>> -> memref<128x128xf32, #tpu.memory_space<vmem>>
      %dma_start3A_79 = arith.constant 0 : i32
      %dma_start3A_80 = tpu.memref_slice %arg9[%add3A_42, %dma_start3A_79] : memref<10112x128xf32, #tpu.memory_space<vmem_shared>> -> memref<128x128xf32, #tpu.memory_space<vmem_shared>>
      tpu.enqueue_dma source(%dma_start3A_80 : memref<128x128xf32, #tpu.memory_space<vmem_shared>>) target(%dma_start3A_78 : memref<128x128xf32, #tpu.memory_space<vmem>>) target_semaphore(%run_scoped3A_69 : memref<!tpu.dma_semaphore, #tpu.memory_space<semaphore_mem>>)
      %dma_wait3A = arith.constant 0 : i32
      %dma_wait3A_81 = arith.constant 0 : i32
      %dma_wait3A_82 = tpu.memref_slice %arg8[%run_scoped3A_43, %dma_wait3A, %dma_wait3A_81] : memref<2x128x128xf32, #tpu.memory_space<vmem>> -> memref<1x128x128xf32, #tpu.memory_space<vmem>>
      %dma_wait3A_83 = tpu.memref_squeeze %dma_wait3A_82 : memref<1x128x128xf32, #tpu.memory_space<vmem>> -> memref<128x128xf32, #tpu.memory_space<vmem>>
      %dma_wait3A_84 = arith.constant 0 : i32
      %dma_wait3A_85 = tpu.memref_slice %arg9[%add3A_42, %dma_wait3A_84] : memref<10112x128xf32, #tpu.memory_space<vmem_shared>> -> memref<128x128xf32, #tpu.memory_space<vmem_shared>>
      %dma_wait3A_86 = arith.constant 0 : i32
      %dma_wait3A_87 = arith.constant 0 : i32
      %dma_wait3A_88 = tpu.memref_slice %arg8[%run_scoped3A_43, %dma_wait3A_86, %dma_wait3A_87] : memref<2x128x128xf32, #tpu.memory_space<vmem>> -> memref<1x128x128xf32, #tpu.memory_space<vmem>>
      %dma_wait3A_89 = tpu.memref_squeeze %dma_wait3A_88 : memref<1x128x128xf32, #tpu.memory_space<vmem>> -> memref<128x128xf32, #tpu.memory_space<vmem>>
      %dma_wait3A_90 = arith.constant 0 : i32
      %dma_wait3A_91 = tpu.memref_slice %arg9[%add3A_42, %dma_wait3A_90] : memref<10112x128xf32, #tpu.memory_space<vmem_shared>> -> memref<128x128xf32, #tpu.memory_space<vmem_shared>>
      tpu.wait_dma2 semaphore(%run_scoped3A_69 : memref<!tpu.dma_semaphore, #tpu.memory_space<semaphore_mem>>) src(%dma_wait3A_91 : memref<128x128xf32, #tpu.memory_space<vmem_shared>>) dst(%dma_wait3A_89 : memref<128x128xf32, #tpu.memory_space<vmem>>)
      tpu.yield
    }) : () -> ()
    %add3A_44 = arith.constant 128 : i32
    %add3A_45 = arith.addi %mul3A_7, %add3A_44 : i32
    %run_scoped3A_46 = arith.constant 0 : i32
    "tpu.region"() ({
      %run_scoped3A_69 = tpu.sem_alloc : memref<!tpu.dma_semaphore, #tpu.memory_space<semaphore_mem>>
      %dma_start3A = arith.constant 0 : i32
      %dma_start3A_70 = arith.constant 0 : i32
      %dma_start3A_71 = tpu.memref_slice %arg8[%run_scoped3A_46, %dma_start3A, %dma_start3A_70] : memref<2x128x128xf32, #tpu.memory_space<vmem>> -> memref<1x128x128xf32, #tpu.memory_space<vmem>>
      %dma_start3A_72 = tpu.memref_squeeze %dma_start3A_71 : memref<1x128x128xf32, #tpu.memory_space<vmem>> -> memref<128x128xf32, #tpu.memory_space<vmem>>
      %dma_start3A_73 = arith.constant 0 : i32
      %dma_start3A_74 = tpu.memref_slice %arg5[%arg0, %add3A_45, %dma_start3A_73] : memref<2x10112x128xf32, #tpu.memory_space<hbm>> -> memref<1x128x128xf32, #tpu.memory_space<hbm>>
      %dma_start3A_75 = tpu.memref_squeeze %dma_start3A_74 : memref<1x128x128xf32, #tpu.memory_space<hbm>> -> memref<128x128xf32, #tpu.memory_space<hbm>>
      %dma_start3A_76 = arith.constant 0 : i32
      %dma_start3A_77 = tpu.memref_slice %arg5[%arg0, %add3A_45, %dma_start3A_76] : memref<2x10112x128xf32, #tpu.memory_space<hbm>> -> memref<1x128x128xf32, #tpu.memory_space<hbm>>
      %dma_start3A_78 = tpu.memref_squeeze %dma_start3A_77 : memref<1x128x128xf32, #tpu.memory_space<hbm>> -> memref<128x128xf32, #tpu.memory_space<hbm>>
      %dma_start3A_79 = arith.constant 0 : i32
      %dma_start3A_80 = arith.constant 0 : i32
      %dma_start3A_81 = tpu.memref_slice %arg8[%run_scoped3A_46, %dma_start3A_79, %dma_start3A_80] : memref<2x128x128xf32, #tpu.memory_space<vmem>> -> memref<1x128x128xf32, #tpu.memory_space<vmem>>
      %dma_start3A_82 = tpu.memref_squeeze %dma_start3A_81 : memref<1x128x128xf32, #tpu.memory_space<vmem>> -> memref<128x128xf32, #tpu.memory_space<vmem>>
      tpu.enqueue_dma source(%dma_start3A_82 : memref<128x128xf32, #tpu.memory_space<vmem>>) target(%dma_start3A_78 : memref<128x128xf32, #tpu.memory_space<hbm>>) target_semaphore(%run_scoped3A_69 : memref<!tpu.dma_semaphore, #tpu.memory_space<semaphore_mem>>)
      %dma_wait3A = arith.constant 0 : i32
      %dma_wait3A_83 = arith.constant 0 : i32
      %dma_wait3A_84 = tpu.memref_slice %arg8[%run_scoped3A_46, %dma_wait3A, %dma_wait3A_83] : memref<2x128x128xf32, #tpu.memory_space<vmem>> -> memref<1x128x128xf32, #tpu.memory_space<vmem>>
      %dma_wait3A_85 = tpu.memref_squeeze %dma_wait3A_84 : memref<1x128x128xf32, #tpu.memory_space<vmem>> -> memref<128x128xf32, #tpu.memory_space<vmem>>
      %dma_wait3A_86 = arith.constant 0 : i32
      %dma_wait3A_87 = tpu.memref_slice %arg5[%arg0, %add3A_45, %dma_wait3A_86] : memref<2x10112x128xf32, #tpu.memory_space<hbm>> -> memref<1x128x128xf32, #tpu.memory_space<hbm>>
      %dma_wait3A_88 = tpu.memref_squeeze %dma_wait3A_87 : memref<1x128x128xf32, #tpu.memory_space<hbm>> -> memref<128x128xf32, #tpu.memory_space<hbm>>
      %dma_wait3A_89 = arith.constant 0 : i32
      %dma_wait3A_90 = tpu.memref_slice %arg5[%arg0, %add3A_45, %dma_wait3A_89] : memref<2x10112x128xf32, #tpu.memory_space<hbm>> -> memref<1x128x128xf32, #tpu.memory_space<hbm>>
      %dma_wait3A_91 = tpu.memref_squeeze %dma_wait3A_90 : memref<1x128x128xf32, #tpu.memory_space<hbm>> -> memref<128x128xf32, #tpu.memory_space<hbm>>
      %dma_wait3A_92 = arith.constant 0 : i32
      %dma_wait3A_93 = arith.constant 0 : i32
      %dma_wait3A_94 = tpu.memref_slice %arg8[%run_scoped3A_46, %dma_wait3A_92, %dma_wait3A_93] : memref<2x128x128xf32, #tpu.memory_space<vmem>> -> memref<1x128x128xf32, #tpu.memory_space<vmem>>
      %dma_wait3A_95 = tpu.memref_squeeze %dma_wait3A_94 : memref<1x128x128xf32, #tpu.memory_space<vmem>> -> memref<128x128xf32, #tpu.memory_space<vmem>>
      tpu.wait_dma2 semaphore(%run_scoped3A_69 : memref<!tpu.dma_semaphore, #tpu.memory_space<semaphore_mem>>) src(%dma_wait3A_95 : memref<128x128xf32, #tpu.memory_space<vmem>>) dst(%dma_wait3A_91 : memref<128x128xf32, #tpu.memory_space<hbm>>)
      tpu.yield
    }) : () -> ()
    %add3A_47 = arith.constant 256 : i32
    %add3A_48 = arith.addi %mul3A_7, %add3A_47 : i32
    %run_scoped3A_49 = arith.constant 0 : i32
    "tpu.region"() ({
      %run_scoped3A_69 = tpu.sem_alloc : memref<!tpu.dma_semaphore, #tpu.memory_space<semaphore_mem>>
      %dma_start3A = arith.constant 0 : i32
      %dma_start3A_70 = arith.constant 0 : i32
      %dma_start3A_71 = tpu.memref_slice %arg8[%run_scoped3A_49, %dma_start3A, %dma_start3A_70] : memref<2x128x128xf32, #tpu.memory_space<vmem>> -> memref<1x128x128xf32, #tpu.memory_space<vmem>>
      %dma_start3A_72 = tpu.memref_squeeze %dma_start3A_71 : memref<1x128x128xf32, #tpu.memory_space<vmem>> -> memref<128x128xf32, #tpu.memory_space<vmem>>
      %dma_start3A_73 = arith.constant 0 : i32
      %dma_start3A_74 = tpu.memref_slice %arg9[%add3A_48, %dma_start3A_73] : memref<10112x128xf32, #tpu.memory_space<vmem_shared>> -> memref<128x128xf32, #tpu.memory_space<vmem_shared>>
      %dma_start3A_75 = arith.constant 0 : i32
      %dma_start3A_76 = arith.constant 0 : i32
      %dma_start3A_77 = tpu.memref_slice %arg8[%run_scoped3A_49, %dma_start3A_75, %dma_start3A_76] : memref<2x128x128xf32, #tpu.memory_space<vmem>> -> memref<1x128x128xf32, #tpu.memory_space<vmem>>
      %dma_start3A_78 = tpu.memref_squeeze %dma_start3A_77 : memref<1x128x128xf32, #tpu.memory_space<vmem>> -> memref<128x128xf32, #tpu.memory_space<vmem>>
      %dma_start3A_79 = arith.constant 0 : i32
      %dma_start3A_80 = tpu.memref_slice %arg9[%add3A_48, %dma_start3A_79] : memref<10112x128xf32, #tpu.memory_space<vmem_shared>> -> memref<128x128xf32, #tpu.memory_space<vmem_shared>>
      tpu.enqueue_dma source(%dma_start3A_80 : memref<128x128xf32, #tpu.memory_space<vmem_shared>>) target(%dma_start3A_78 : memref<128x128xf32, #tpu.memory_space<vmem>>) target_semaphore(%run_scoped3A_69 : memref<!tpu.dma_semaphore, #tpu.memory_space<semaphore_mem>>)
      %dma_wait3A = arith.constant 0 : i32
      %dma_wait3A_81 = arith.constant 0 : i32
      %dma_wait3A_82 = tpu.memref_slice %arg8[%run_scoped3A_49, %dma_wait3A, %dma_wait3A_81] : memref<2x128x128xf32, #tpu.memory_space<vmem>> -> memref<1x128x128xf32, #tpu.memory_space<vmem>>
      %dma_wait3A_83 = tpu.memref_squeeze %dma_wait3A_82 : memref<1x128x128xf32, #tpu.memory_space<vmem>> -> memref<128x128xf32, #tpu.memory_space<vmem>>
      %dma_wait3A_84 = arith.constant 0 : i32
      %dma_wait3A_85 = tpu.memref_slice %arg9[%add3A_48, %dma_wait3A_84] : memref<10112x128xf32, #tpu.memory_space<vmem_shared>> -> memref<128x128xf32, #tpu.memory_space<vmem_shared>>
      %dma_wait3A_86 = arith.constant 0 : i32
      %dma_wait3A_87 = arith.constant 0 : i32
      %dma_wait3A_88 = tpu.memref_slice %arg8[%run_scoped3A_49, %dma_wait3A_86, %dma_wait3A_87] : memref<2x128x128xf32, #tpu.memory_space<vmem>> -> memref<1x128x128xf32, #tpu.memory_space<vmem>>
      %dma_wait3A_89 = tpu.memref_squeeze %dma_wait3A_88 : memref<1x128x128xf32, #tpu.memory_space<vmem>> -> memref<128x128xf32, #tpu.memory_space<vmem>>
      %dma_wait3A_90 = arith.constant 0 : i32
      %dma_wait3A_91 = tpu.memref_slice %arg9[%add3A_48, %dma_wait3A_90] : memref<10112x128xf32, #tpu.memory_space<vmem_shared>> -> memref<128x128xf32, #tpu.memory_space<vmem_shared>>
      tpu.wait_dma2 semaphore(%run_scoped3A_69 : memref<!tpu.dma_semaphore, #tpu.memory_space<semaphore_mem>>) src(%dma_wait3A_91 : memref<128x128xf32, #tpu.memory_space<vmem_shared>>) dst(%dma_wait3A_89 : memref<128x128xf32, #tpu.memory_space<vmem>>)
      tpu.yield
    }) : () -> ()
    %add3A_50 = arith.constant 256 : i32
    %add3A_51 = arith.addi %mul3A_7, %add3A_50 : i32
    %run_scoped3A_52 = arith.constant 0 : i32
    "tpu.region"() ({
      %run_scoped3A_69 = tpu.sem_alloc : memref<!tpu.dma_semaphore, #tpu.memory_space<semaphore_mem>>
      %dma_start3A = arith.constant 0 : i32
      %dma_start3A_70 = arith.constant 0 : i32
      %dma_start3A_71 = tpu.memref_slice %arg8[%run_scoped3A_52, %dma_start3A, %dma_start3A_70] : memref<2x128x128xf32, #tpu.memory_space<vmem>> -> memref<1x128x128xf32, #tpu.memory_space<vmem>>
      %dma_start3A_72 = tpu.memref_squeeze %dma_start3A_71 : memref<1x128x128xf32, #tpu.memory_space<vmem>> -> memref<128x128xf32, #tpu.memory_space<vmem>>
      %dma_start3A_73 = arith.constant 0 : i32
      %dma_start3A_74 = tpu.memref_slice %arg5[%arg0, %add3A_51, %dma_start3A_73] : memref<2x10112x128xf32, #tpu.memory_space<hbm>> -> memref<1x128x128xf32, #tpu.memory_space<hbm>>
      %dma_start3A_75 = tpu.memref_squeeze %dma_start3A_74 : memref<1x128x128xf32, #tpu.memory_space<hbm>> -> memref<128x128xf32, #tpu.memory_space<hbm>>
      %dma_start3A_76 = arith.constant 0 : i32
      %dma_start3A_77 = tpu.memref_slice %arg5[%arg0, %add3A_51, %dma_start3A_76] : memref<2x10112x128xf32, #tpu.memory_space<hbm>> -> memref<1x128x128xf32, #tpu.memory_space<hbm>>
      %dma_start3A_78 = tpu.memref_squeeze %dma_start3A_77 : memref<1x128x128xf32, #tpu.memory_space<hbm>> -> memref<128x128xf32, #tpu.memory_space<hbm>>
      %dma_start3A_79 = arith.constant 0 : i32
      %dma_start3A_80 = arith.constant 0 : i32
      %dma_start3A_81 = tpu.memref_slice %arg8[%run_scoped3A_52, %dma_start3A_79, %dma_start3A_80] : memref<2x128x128xf32, #tpu.memory_space<vmem>> -> memref<1x128x128xf32, #tpu.memory_space<vmem>>
      %dma_start3A_82 = tpu.memref_squeeze %dma_start3A_81 : memref<1x128x128xf32, #tpu.memory_space<vmem>> -> memref<128x128xf32, #tpu.memory_space<vmem>>
      tpu.enqueue_dma source(%dma_start3A_82 : memref<128x128xf32, #tpu.memory_space<vmem>>) target(%dma_start3A_78 : memref<128x128xf32, #tpu.memory_space<hbm>>) target_semaphore(%run_scoped3A_69 : memref<!tpu.dma_semaphore, #tpu.memory_space<semaphore_mem>>)
      %dma_wait3A = arith.constant 0 : i32
      %dma_wait3A_83 = arith.constant 0 : i32
      %dma_wait3A_84 = tpu.memref_slice %arg8[%run_scoped3A_52, %dma_wait3A, %dma_wait3A_83] : memref<2x128x128xf32, #tpu.memory_space<vmem>> -> memref<1x128x128xf32, #tpu.memory_space<vmem>>
      %dma_wait3A_85 = tpu.memref_squeeze %dma_wait3A_84 : memref<1x128x128xf32, #tpu.memory_space<vmem>> -> memref<128x128xf32, #tpu.memory_space<vmem>>
      %dma_wait3A_86 = arith.constant 0 : i32
      %dma_wait3A_87 = tpu.memref_slice %arg5[%arg0, %add3A_51, %dma_wait3A_86] : memref<2x10112x128xf32, #tpu.memory_space<hbm>> -> memref<1x128x128xf32, #tpu.memory_space<hbm>>
      %dma_wait3A_88 = tpu.memref_squeeze %dma_wait3A_87 : memref<1x128x128xf32, #tpu.memory_space<hbm>> -> memref<128x128xf32, #tpu.memory_space<hbm>>
      %dma_wait3A_89 = arith.constant 0 : i32
      %dma_wait3A_90 = tpu.memref_slice %arg5[%arg0, %add3A_51, %dma_wait3A_89] : memref<2x10112x128xf32, #tpu.memory_space<hbm>> -> memref<1x128x128xf32, #tpu.memory_space<hbm>>
      %dma_wait3A_91 = tpu.memref_squeeze %dma_wait3A_90 : memref<1x128x128xf32, #tpu.memory_space<hbm>> -> memref<128x128xf32, #tpu.memory_space<hbm>>
      %dma_wait3A_92 = arith.constant 0 : i32
      %dma_wait3A_93 = arith.constant 0 : i32
      %dma_wait3A_94 = tpu.memref_slice %arg8[%run_scoped3A_52, %dma_wait3A_92, %dma_wait3A_93] : memref<2x128x128xf32, #tpu.memory_space<vmem>> -> memref<1x128x128xf32, #tpu.memory_space<vmem>>
      %dma_wait3A_95 = tpu.memref_squeeze %dma_wait3A_94 : memref<1x128x128xf32, #tpu.memory_space<vmem>> -> memref<128x128xf32, #tpu.memory_space<vmem>>
      tpu.wait_dma2 semaphore(%run_scoped3A_69 : memref<!tpu.dma_semaphore, #tpu.memory_space<semaphore_mem>>) src(%dma_wait3A_95 : memref<128x128xf32, #tpu.memory_space<vmem>>) dst(%dma_wait3A_91 : memref<128x128xf32, #tpu.memory_space<hbm>>)
      tpu.yield
    }) : () -> ()
    %add3A_53 = arith.constant 384 : i32
    %add3A_54 = arith.addi %mul3A_7, %add3A_53 : i32
    %run_scoped3A_55 = arith.constant 0 : i32
    "tpu.region"() ({
      %run_scoped3A_69 = tpu.sem_alloc : memref<!tpu.dma_semaphore, #tpu.memory_space<semaphore_mem>>
      %dma_start3A = arith.constant 0 : i32
      %dma_start3A_70 = arith.constant 0 : i32
      %dma_start3A_71 = tpu.memref_slice %arg8[%run_scoped3A_55, %dma_start3A, %dma_start3A_70] : memref<2x128x128xf32, #tpu.memory_space<vmem>> -> memref<1x128x128xf32, #tpu.memory_space<vmem>>
      %dma_start3A_72 = tpu.memref_squeeze %dma_start3A_71 : memref<1x128x128xf32, #tpu.memory_space<vmem>> -> memref<128x128xf32, #tpu.memory_space<vmem>>
      %dma_start3A_73 = arith.constant 0 : i32
      %dma_start3A_74 = tpu.memref_slice %arg9[%add3A_54, %dma_start3A_73] : memref<10112x128xf32, #tpu.memory_space<vmem_shared>> -> memref<128x128xf32, #tpu.memory_space<vmem_shared>>
      %dma_start3A_75 = arith.constant 0 : i32
      %dma_start3A_76 = arith.constant 0 : i32
      %dma_start3A_77 = tpu.memref_slice %arg8[%run_scoped3A_55, %dma_start3A_75, %dma_start3A_76] : memref<2x128x128xf32, #tpu.memory_space<vmem>> -> memref<1x128x128xf32, #tpu.memory_space<vmem>>
      %dma_start3A_78 = tpu.memref_squeeze %dma_start3A_77 : memref<1x128x128xf32, #tpu.memory_space<vmem>> -> memref<128x128xf32, #tpu.memory_space<vmem>>
      %dma_start3A_79 = arith.constant 0 : i32
      %dma_start3A_80 = tpu.memref_slice %arg9[%add3A_54, %dma_start3A_79] : memref<10112x128xf32, #tpu.memory_space<vmem_shared>> -> memref<128x128xf32, #tpu.memory_space<vmem_shared>>
      tpu.enqueue_dma source(%dma_start3A_80 : memref<128x128xf32, #tpu.memory_space<vmem_shared>>) target(%dma_start3A_78 : memref<128x128xf32, #tpu.memory_space<vmem>>) target_semaphore(%run_scoped3A_69 : memref<!tpu.dma_semaphore, #tpu.memory_space<semaphore_mem>>)
      %dma_wait3A = arith.constant 0 : i32
      %dma_wait3A_81 = arith.constant 0 : i32
      %dma_wait3A_82 = tpu.memref_slice %arg8[%run_scoped3A_55, %dma_wait3A, %dma_wait3A_81] : memref<2x128x128xf32, #tpu.memory_space<vmem>> -> memref<1x128x128xf32, #tpu.memory_space<vmem>>
      %dma_wait3A_83 = tpu.memref_squeeze %dma_wait3A_82 : memref<1x128x128xf32, #tpu.memory_space<vmem>> -> memref<128x128xf32, #tpu.memory_space<vmem>>
      %dma_wait3A_84 = arith.constant 0 : i32
      %dma_wait3A_85 = tpu.memref_slice %arg9[%add3A_54, %dma_wait3A_84] : memref<10112x128xf32, #tpu.memory_space<vmem_shared>> -> memref<128x128xf32, #tpu.memory_space<vmem_shared>>
      %dma_wait3A_86 = arith.constant 0 : i32
      %dma_wait3A_87 = arith.constant 0 : i32
      %dma_wait3A_88 = tpu.memref_slice %arg8[%run_scoped3A_55, %dma_wait3A_86, %dma_wait3A_87] : memref<2x128x128xf32, #tpu.memory_space<vmem>> -> memref<1x128x128xf32, #tpu.memory_space<vmem>>
      %dma_wait3A_89 = tpu.memref_squeeze %dma_wait3A_88 : memref<1x128x128xf32, #tpu.memory_space<vmem>> -> memref<128x128xf32, #tpu.memory_space<vmem>>
      %dma_wait3A_90 = arith.constant 0 : i32
      %dma_wait3A_91 = tpu.memref_slice %arg9[%add3A_54, %dma_wait3A_90] : memref<10112x128xf32, #tpu.memory_space<vmem_shared>> -> memref<128x128xf32, #tpu.memory_space<vmem_shared>>
      tpu.wait_dma2 semaphore(%run_scoped3A_69 : memref<!tpu.dma_semaphore, #tpu.memory_space<semaphore_mem>>) src(%dma_wait3A_91 : memref<128x128xf32, #tpu.memory_space<vmem_shared>>) dst(%dma_wait3A_89 : memref<128x128xf32, #tpu.memory_space<vmem>>)
      tpu.yield
    }) : () -> ()
    %add3A_56 = arith.constant 384 : i32
    %add3A_57 = arith.addi %mul3A_7, %add3A_56 : i32
    %run_scoped3A_58 = arith.constant 0 : i32
    "tpu.region"() ({
      %run_scoped3A_69 = tpu.sem_alloc : memref<!tpu.dma_semaphore, #tpu.memory_space<semaphore_mem>>
      %dma_start3A = arith.constant 0 : i32
      %dma_start3A_70 = arith.constant 0 : i32
      %dma_start3A_71 = tpu.memref_slice %arg8[%run_scoped3A_58, %dma_start3A, %dma_start3A_70] : memref<2x128x128xf32, #tpu.memory_space<vmem>> -> memref<1x128x128xf32, #tpu.memory_space<vmem>>
      %dma_start3A_72 = tpu.memref_squeeze %dma_start3A_71 : memref<1x128x128xf32, #tpu.memory_space<vmem>> -> memref<128x128xf32, #tpu.memory_space<vmem>>
      %dma_start3A_73 = arith.constant 0 : i32
      %dma_start3A_74 = tpu.memref_slice %arg5[%arg0, %add3A_57, %dma_start3A_73] : memref<2x10112x128xf32, #tpu.memory_space<hbm>> -> memref<1x128x128xf32, #tpu.memory_space<hbm>>
      %dma_start3A_75 = tpu.memref_squeeze %dma_start3A_74 : memref<1x128x128xf32, #tpu.memory_space<hbm>> -> memref<128x128xf32, #tpu.memory_space<hbm>>
      %dma_start3A_76 = arith.constant 0 : i32
      %dma_start3A_77 = tpu.memref_slice %arg5[%arg0, %add3A_57, %dma_start3A_76] : memref<2x10112x128xf32, #tpu.memory_space<hbm>> -> memref<1x128x128xf32, #tpu.memory_space<hbm>>
      %dma_start3A_78 = tpu.memref_squeeze %dma_start3A_77 : memref<1x128x128xf32, #tpu.memory_space<hbm>> -> memref<128x128xf32, #tpu.memory_space<hbm>>
      %dma_start3A_79 = arith.constant 0 : i32
      %dma_start3A_80 = arith.constant 0 : i32
      %dma_start3A_81 = tpu.memref_slice %arg8[%run_scoped3A_58, %dma_start3A_79, %dma_start3A_80] : memref<2x128x128xf32, #tpu.memory_space<vmem>> -> memref<1x128x128xf32, #tpu.memory_space<vmem>>
      %dma_start3A_82 = tpu.memref_squeeze %dma_start3A_81 : memref<1x128x128xf32, #tpu.memory_space<vmem>> -> memref<128x128xf32, #tpu.memory_space<vmem>>
      tpu.enqueue_dma source(%dma_start3A_82 : memref<128x128xf32, #tpu.memory_space<vmem>>) target(%dma_start3A_78 : memref<128x128xf32, #tpu.memory_space<hbm>>) target_semaphore(%run_scoped3A_69 : memref<!tpu.dma_semaphore, #tpu.memory_space<semaphore_mem>>)
      %dma_wait3A = arith.constant 0 : i32
      %dma_wait3A_83 = arith.constant 0 : i32
      %dma_wait3A_84 = tpu.memref_slice %arg8[%run_scoped3A_58, %dma_wait3A, %dma_wait3A_83] : memref<2x128x128xf32, #tpu.memory_space<vmem>> -> memref<1x128x128xf32, #tpu.memory_space<vmem>>
      %dma_wait3A_85 = tpu.memref_squeeze %dma_wait3A_84 : memref<1x128x128xf32, #tpu.memory_space<vmem>> -> memref<128x128xf32, #tpu.memory_space<vmem>>
      %dma_wait3A_86 = arith.constant 0 : i32
      %dma_wait3A_87 = tpu.memref_slice %arg5[%arg0, %add3A_57, %dma_wait3A_86] : memref<2x10112x128xf32, #tpu.memory_space<hbm>> -> memref<1x128x128xf32, #tpu.memory_space<hbm>>
      %dma_wait3A_88 = tpu.memref_squeeze %dma_wait3A_87 : memref<1x128x128xf32, #tpu.memory_space<hbm>> -> memref<128x128xf32, #tpu.memory_space<hbm>>
      %dma_wait3A_89 = arith.constant 0 : i32
      %dma_wait3A_90 = tpu.memref_slice %arg5[%arg0, %add3A_57, %dma_wait3A_89] : memref<2x10112x128xf32, #tpu.memory_space<hbm>> -> memref<1x128x128xf32, #tpu.memory_space<hbm>>
      %dma_wait3A_91 = tpu.memref_squeeze %dma_wait3A_90 : memref<1x128x128xf32, #tpu.memory_space<hbm>> -> memref<128x128xf32, #tpu.memory_space<hbm>>
      %dma_wait3A_92 = arith.constant 0 : i32
      %dma_wait3A_93 = arith.constant 0 : i32
      %dma_wait3A_94 = tpu.memref_slice %arg8[%run_scoped3A_58, %dma_wait3A_92, %dma_wait3A_93] : memref<2x128x128xf32, #tpu.memory_space<vmem>> -> memref<1x128x128xf32, #tpu.memory_space<vmem>>
      %dma_wait3A_95 = tpu.memref_squeeze %dma_wait3A_94 : memref<1x128x128xf32, #tpu.memory_space<vmem>> -> memref<128x128xf32, #tpu.memory_space<vmem>>
      tpu.wait_dma2 semaphore(%run_scoped3A_69 : memref<!tpu.dma_semaphore, #tpu.memory_space<semaphore_mem>>) src(%dma_wait3A_95 : memref<128x128xf32, #tpu.memory_space<vmem>>) dst(%dma_wait3A_91 : memref<128x128xf32, #tpu.memory_space<hbm>>)
      tpu.yield
    }) : () -> ()
    %add3A_59 = arith.constant 632 : i32
    %add3A_60 = arith.addi %mul3A_7, %add3A_59 : i32
    %sub3A_61 = arith.constant 120 : i32
    %sub3A_62 = arith.subi %add3A_60, %sub3A_61 : i32
    %run_scoped3A_63 = arith.constant 0 : i32
    "tpu.region"() ({
      %run_scoped3A_69 = tpu.sem_alloc : memref<!tpu.dma_semaphore, #tpu.memory_space<semaphore_mem>>
      %dma_start3A = arith.constant 0 : i32
      %dma_start3A_70 = arith.constant 0 : i32
      %dma_start3A_71 = tpu.memref_slice %arg8[%run_scoped3A_63, %dma_start3A, %dma_start3A_70] : memref<2x128x128xf32, #tpu.memory_space<vmem>> -> memref<1x120x128xf32, #tpu.memory_space<vmem>>
      %dma_start3A_72 = tpu.memref_squeeze %dma_start3A_71 : memref<1x120x128xf32, #tpu.memory_space<vmem>> -> memref<120x128xf32, #tpu.memory_space<vmem>>
      %dma_start3A_73 = arith.constant 0 : i32
      %dma_start3A_74 = tpu.memref_slice %arg9[%sub3A_62, %dma_start3A_73] : memref<10112x128xf32, #tpu.memory_space<vmem_shared>> -> memref<120x128xf32, #tpu.memory_space<vmem_shared>>
      %dma_start3A_75 = arith.constant 0 : i32
      %dma_start3A_76 = arith.constant 0 : i32
      %dma_start3A_77 = tpu.memref_slice %arg8[%run_scoped3A_63, %dma_start3A_75, %dma_start3A_76] : memref<2x128x128xf32, #tpu.memory_space<vmem>> -> memref<1x120x128xf32, #tpu.memory_space<vmem>>
      %dma_start3A_78 = tpu.memref_squeeze %dma_start3A_77 : memref<1x120x128xf32, #tpu.memory_space<vmem>> -> memref<120x128xf32, #tpu.memory_space<vmem>>
      %dma_start3A_79 = arith.constant 0 : i32
      %dma_start3A_80 = tpu.memref_slice %arg9[%sub3A_62, %dma_start3A_79] : memref<10112x128xf32, #tpu.memory_space<vmem_shared>> -> memref<120x128xf32, #tpu.memory_space<vmem_shared>>
      tpu.enqueue_dma source(%dma_start3A_80 : memref<120x128xf32, #tpu.memory_space<vmem_shared>>) target(%dma_start3A_78 : memref<120x128xf32, #tpu.memory_space<vmem>>) target_semaphore(%run_scoped3A_69 : memref<!tpu.dma_semaphore, #tpu.memory_space<semaphore_mem>>)
      %dma_wait3A = arith.constant 0 : i32
      %dma_wait3A_81 = arith.constant 0 : i32
      %dma_wait3A_82 = tpu.memref_slice %arg8[%run_scoped3A_63, %dma_wait3A, %dma_wait3A_81] : memref<2x128x128xf32, #tpu.memory_space<vmem>> -> memref<1x120x128xf32, #tpu.memory_space<vmem>>
      %dma_wait3A_83 = tpu.memref_squeeze %dma_wait3A_82 : memref<1x120x128xf32, #tpu.memory_space<vmem>> -> memref<120x128xf32, #tpu.memory_space<vmem>>
      %dma_wait3A_84 = arith.constant 0 : i32
      %dma_wait3A_85 = tpu.memref_slice %arg9[%sub3A_62, %dma_wait3A_84] : memref<10112x128xf32, #tpu.memory_space<vmem_shared>> -> memref<120x128xf32, #tpu.memory_space<vmem_shared>>
      %dma_wait3A_86 = arith.constant 0 : i32
      %dma_wait3A_87 = arith.constant 0 : i32
      %dma_wait3A_88 = tpu.memref_slice %arg8[%run_scoped3A_63, %dma_wait3A_86, %dma_wait3A_87] : memref<2x128x128xf32, #tpu.memory_space<vmem>> -> memref<1x120x128xf32, #tpu.memory_space<vmem>>
      %dma_wait3A_89 = tpu.memref_squeeze %dma_wait3A_88 : memref<1x120x128xf32, #tpu.memory_space<vmem>> -> memref<120x128xf32, #tpu.memory_space<vmem>>
      %dma_wait3A_90 = arith.constant 0 : i32
      %dma_wait3A_91 = tpu.memref_slice %arg9[%sub3A_62, %dma_wait3A_90] : memref<10112x128xf32, #tpu.memory_space<vmem_shared>> -> memref<120x128xf32, #tpu.memory_space<vmem_shared>>
      tpu.wait_dma2 semaphore(%run_scoped3A_69 : memref<!tpu.dma_semaphore, #tpu.memory_space<semaphore_mem>>) src(%dma_wait3A_91 : memref<120x128xf32, #tpu.memory_space<vmem_shared>>) dst(%dma_wait3A_89 : memref<120x128xf32, #tpu.memory_space<vmem>>)
      tpu.yield
    }) : () -> ()
    %add3A_64 = arith.constant 632 : i32
    %add3A_65 = arith.addi %mul3A_7, %add3A_64 : i32
    %sub3A_66 = arith.constant 120 : i32
    %sub3A_67 = arith.subi %add3A_65, %sub3A_66 : i32
    %run_scoped3A_68 = arith.constant 0 : i32
    "tpu.region"() ({
      %run_scoped3A_69 = tpu.sem_alloc : memref<!tpu.dma_semaphore, #tpu.memory_space<semaphore_mem>>
      %dma_start3A = arith.constant 0 : i32
      %dma_start3A_70 = arith.constant 0 : i32
      %dma_start3A_71 = tpu.memref_slice %arg8[%run_scoped3A_68, %dma_start3A, %dma_start3A_70] : memref<2x128x128xf32, #tpu.memory_space<vmem>> -> memref<1x120x128xf32, #tpu.memory_space<vmem>>
      %dma_start3A_72 = tpu.memref_squeeze %dma_start3A_71 : memref<1x120x128xf32, #tpu.memory_space<vmem>> -> memref<120x128xf32, #tpu.memory_space<vmem>>
      %dma_start3A_73 = arith.constant 0 : i32
      %dma_start3A_74 = tpu.memref_slice %arg5[%arg0, %sub3A_67, %dma_start3A_73] : memref<2x10112x128xf32, #tpu.memory_space<hbm>> -> memref<1x120x128xf32, #tpu.memory_space<hbm>>
      %dma_start3A_75 = tpu.memref_squeeze %dma_start3A_74 : memref<1x120x128xf32, #tpu.memory_space<hbm>> -> memref<120x128xf32, #tpu.memory_space<hbm>>
      %dma_start3A_76 = arith.constant 0 : i32
      %dma_start3A_77 = tpu.memref_slice %arg5[%arg0, %sub3A_67, %dma_start3A_76] : memref<2x10112x128xf32, #tpu.memory_space<hbm>> -> memref<1x120x128xf32, #tpu.memory_space<hbm>>
      %dma_start3A_78 = tpu.memref_squeeze %dma_start3A_77 : memref<1x120x128xf32, #tpu.memory_space<hbm>> -> memref<120x128xf32, #tpu.memory_space<hbm>>
      %dma_start3A_79 = arith.constant 0 : i32
      %dma_start3A_80 = arith.constant 0 : i32
      %dma_start3A_81 = tpu.memref_slice %arg8[%run_scoped3A_68, %dma_start3A_79, %dma_start3A_80] : memref<2x128x128xf32, #tpu.memory_space<vmem>> -> memref<1x120x128xf32, #tpu.memory_space<vmem>>
      %dma_start3A_82 = tpu.memref_squeeze %dma_start3A_81 : memref<1x120x128xf32, #tpu.memory_space<vmem>> -> memref<120x128xf32, #tpu.memory_space<vmem>>
      tpu.enqueue_dma source(%dma_start3A_82 : memref<120x128xf32, #tpu.memory_space<vmem>>) target(%dma_start3A_78 : memref<120x128xf32, #tpu.memory_space<hbm>>) target_semaphore(%run_scoped3A_69 : memref<!tpu.dma_semaphore, #tpu.memory_space<semaphore_mem>>)
      %dma_wait3A = arith.constant 0 : i32
      %dma_wait3A_83 = arith.constant 0 : i32
      %dma_wait3A_84 = tpu.memref_slice %arg8[%run_scoped3A_68, %dma_wait3A, %dma_wait3A_83] : memref<2x128x128xf32, #tpu.memory_space<vmem>> -> memref<1x120x128xf32, #tpu.memory_space<vmem>>
      %dma_wait3A_85 = tpu.memref_squeeze %dma_wait3A_84 : memref<1x120x128xf32, #tpu.memory_space<vmem>> -> memref<120x128xf32, #tpu.memory_space<vmem>>
      %dma_wait3A_86 = arith.constant 0 : i32
      %dma_wait3A_87 = tpu.memref_slice %arg5[%arg0, %sub3A_67, %dma_wait3A_86] : memref<2x10112x128xf32, #tpu.memory_space<hbm>> -> memref<1x120x128xf32, #tpu.memory_space<hbm>>
      %dma_wait3A_88 = tpu.memref_squeeze %dma_wait3A_87 : memref<1x120x128xf32, #tpu.memory_space<hbm>> -> memref<120x128xf32, #tpu.memory_space<hbm>>
      %dma_wait3A_89 = arith.constant 0 : i32
      %dma_wait3A_90 = tpu.memref_slice %arg5[%arg0, %sub3A_67, %dma_wait3A_89] : memref<2x10112x128xf32, #tpu.memory_space<hbm>> -> memref<1x120x128xf32, #tpu.memory_space<hbm>>
      %dma_wait3A_91 = tpu.memref_squeeze %dma_wait3A_90 : memref<1x120x128xf32, #tpu.memory_space<hbm>> -> memref<120x128xf32, #tpu.memory_space<hbm>>
      %dma_wait3A_92 = arith.constant 0 : i32
      %dma_wait3A_93 = arith.constant 0 : i32
      %dma_wait3A_94 = tpu.memref_slice %arg8[%run_scoped3A_68, %dma_wait3A_92, %dma_wait3A_93] : memref<2x128x128xf32, #tpu.memory_space<vmem>> -> memref<1x120x128xf32, #tpu.memory_space<vmem>>
      %dma_wait3A_95 = tpu.memref_squeeze %dma_wait3A_94 : memref<1x120x128xf32, #tpu.memory_space<vmem>> -> memref<120x128xf32, #tpu.memory_space<vmem>>
      tpu.wait_dma2 semaphore(%run_scoped3A_69 : memref<!tpu.dma_semaphore, #tpu.memory_space<semaphore_mem>>) src(%dma_wait3A_95 : memref<120x128xf32, #tpu.memory_space<vmem>>) dst(%dma_wait3A_91 : memref<120x128xf32, #tpu.memory_space<hbm>>)
      tpu.yield
    }) : () -> ()
    return
  }
}

module attributes {stable_mosaic.version = 14 : i64} {
  func.func @_hist_body(%arg0: i32, %arg1: memref<8x1000xi32, #tpu.memory_space<vmem>>, %arg2: memref<80x128xf32, #tpu.memory_space<vmem>>) attributes {dimension_semantics = [#tpu.dimension_semantics<arbitrary>], iteration_bounds = array<i64: 40>, scalar_prefetch = 0 : i64, scratch_operands = 0 : i64, tpu.core_type = #tpu.core_type<tc>, window_params = [{transform_indices = @transform_0, window_bounds = array<i64: 8, 1000>}, {pipeline_mode = #tpu.pipeline_mode<synchronous>, transform_indices = @transform_1, window_bounds = array<i64: 80, 128>}]} {
    %eq3A = arith.constant 0 : i32
    %eq3A_0 = arith.cmpi eq, %arg0, %eq3A : i32
    %convert_element_type3A = arith.extui %eq3A_0 : i1 to i32
    %cond3A = arith.constant 0 : i32
    %cond3A_1 = arith.cmpi ne, %convert_element_type3A, %cond3A : i32
    scf.if %cond3A_1 {
      %broadcast_in_dim3A_219 = arith.constant 0.000000e+00 : f32
      %broadcast_in_dim3A_220 = vector.broadcast %broadcast_in_dim3A_219 : f32 to vector<80x128xf32>
      %swap3A_221 = arith.constant 0 : index
      %swap3A_222 = arith.constant 0 : index
      %swap3A_223 = vector.load %arg2[%swap3A_221, %swap3A_222] : memref<80x128xf32, #tpu.memory_space<vmem>>, vector<80x128xf32>
      tpu.vector_store %arg2[%swap3A_221, %swap3A_222], %broadcast_in_dim3A_220 {strides = array<i32>} : memref<80x128xf32, #tpu.memory_space<vmem>>, vector<80x128xf32>,
    } else {
    }
    %broadcast_in_dim3A = arith.constant 0.000000e+00 : f32
    %broadcast_in_dim3A_2 = vector.broadcast %broadcast_in_dim3A : f32 to vector<80x128xf32>
    %get3A = arith.constant 0 : index
    %get3A_3 = arith.constant 0 : index
    %get3A_4 = vector.load %arg1[%get3A, %get3A_3] : memref<8x1000xi32, #tpu.memory_space<vmem>>, vector<1x1000xi32>
    %get3A_5 = vector.shape_cast %get3A_4 : vector<1x1000xi32> to vector<1000xi32>
    %shift_right_logical3A = arith.constant 7 : i32
    %shift_right_logical3A_6 = vector.broadcast %shift_right_logical3A : i32 to vector<1000xi32>
    %shift_right_logical3A_7 = arith.shrui %get3A_5, %shift_right_logical3A_6 : vector<1000xi32>
    %and3A = arith.constant 127 : i32
    %and3A_8 = vector.broadcast %and3A : i32 to vector<1000xi32>
    %and3A_9 = arith.andi %get3A_5, %and3A_8 : vector<1000xi32>
    %broadcast_in_dim3A_10 = vector.shape_cast %shift_right_logical3A_7 : vector<1000xi32> to vector<1000x1xi32>
    %iota3A = tpu.iota {dimensions = array<i32: 1>} : vector<1000x80xi32>
    %eq3A_11 = vector.broadcast %broadcast_in_dim3A_10 : vector<1000x1xi32> to vector<1000x80xi32>
    %eq3A_12 = arith.cmpi eq, %eq3A_11, %iota3A : vector<1000x80xi32>
    %convert_element_type3A_13 = arith.extui %eq3A_12 : vector<1000x80xi1> to vector<1000x80xi32>
    %convert_element_type3A_14 = arith.sitofp %convert_element_type3A_13 : vector<1000x80xi32> to vector<1000x80xf32>
    %convert_element_type3A_15 = arith.truncf %convert_element_type3A_14 : vector<1000x80xf32> to vector<1000x80xbf16>
    %broadcast_in_dim3A_16 = vector.shape_cast %and3A_9 : vector<1000xi32> to vector<1000x1xi32>
    %iota3A_17 = tpu.iota {dimensions = array<i32: 1>} : vector<1000x128xi32>
    %eq3A_18 = vector.broadcast %broadcast_in_dim3A_16 : vector<1000x1xi32> to vector<1000x128xi32>
    %eq3A_19 = arith.cmpi eq, %eq3A_18, %iota3A_17 : vector<1000x128xi32>
    %convert_element_type3A_20 = arith.extui %eq3A_19 : vector<1000x128xi1> to vector<1000x128xi32>
    %convert_element_type3A_21 = arith.sitofp %convert_element_type3A_20 : vector<1000x128xi32> to vector<1000x128xf32>
    %convert_element_type3A_22 = arith.truncf %convert_element_type3A_21 : vector<1000x128xf32> to vector<1000x128xbf16>
    %dot_general3A = arith.constant dense<0.000000e+00> : vector<80x128xf32>
    %dot_general3A_23 = tpu.matmul %convert_element_type3A_15, %convert_element_type3A_22, %dot_general3A {dimension_numbers = #tpu.dot_dimension_numbers<[0], [0], [1], [1], [0, 1, 1, 1], [], []>, transpose_lhs_hint = false} : vector<1000x80xbf16>, vector<1000x128xbf16>, vector<80x128xf32> -> vector<80x128xf32>
    %add3A = arith.addf %broadcast_in_dim3A_2, %dot_general3A_23 : vector<80x128xf32>
    %get3A_24 = arith.constant 1 : index
    %get3A_25 = arith.constant 0 : index
    %get3A_26 = vector.load %arg1[%get3A_24, %get3A_25] : memref<8x1000xi32, #tpu.memory_space<vmem>>, vector<1x1000xi32>
    %get3A_27 = vector.shape_cast %get3A_26 : vector<1x1000xi32> to vector<1000xi32>
    %shift_right_logical3A_28 = arith.constant 7 : i32
    %shift_right_logical3A_29 = vector.broadcast %shift_right_logical3A_28 : i32 to vector<1000xi32>
    %shift_right_logical3A_30 = arith.shrui %get3A_27, %shift_right_logical3A_29 : vector<1000xi32>
    %and3A_31 = arith.constant 127 : i32
    %and3A_32 = vector.broadcast %and3A_31 : i32 to vector<1000xi32>
    %and3A_33 = arith.andi %get3A_27, %and3A_32 : vector<1000xi32>
    %broadcast_in_dim3A_34 = vector.shape_cast %shift_right_logical3A_30 : vector<1000xi32> to vector<1000x1xi32>
    %iota3A_35 = tpu.iota {dimensions = array<i32: 1>} : vector<1000x80xi32>
    %eq3A_36 = vector.broadcast %broadcast_in_dim3A_34 : vector<1000x1xi32> to vector<1000x80xi32>
    %eq3A_37 = arith.cmpi eq, %eq3A_36, %iota3A_35 : vector<1000x80xi32>
    %convert_element_type3A_38 = arith.extui %eq3A_37 : vector<1000x80xi1> to vector<1000x80xi32>
    %convert_element_type3A_39 = arith.sitofp %convert_element_type3A_38 : vector<1000x80xi32> to vector<1000x80xf32>
    %convert_element_type3A_40 = arith.truncf %convert_element_type3A_39 : vector<1000x80xf32> to vector<1000x80xbf16>
    %broadcast_in_dim3A_41 = vector.shape_cast %and3A_33 : vector<1000xi32> to vector<1000x1xi32>
    %iota3A_42 = tpu.iota {dimensions = array<i32: 1>} : vector<1000x128xi32>
    %eq3A_43 = vector.broadcast %broadcast_in_dim3A_41 : vector<1000x1xi32> to vector<1000x128xi32>
    %eq3A_44 = arith.cmpi eq, %eq3A_43, %iota3A_42 : vector<1000x128xi32>
    %convert_element_type3A_45 = arith.extui %eq3A_44 : vector<1000x128xi1> to vector<1000x128xi32>
    %convert_element_type3A_46 = arith.sitofp %convert_element_type3A_45 : vector<1000x128xi32> to vector<1000x128xf32>
    %convert_element_type3A_47 = arith.truncf %convert_element_type3A_46 : vector<1000x128xf32> to vector<1000x128xbf16>
    %dot_general3A_48 = arith.constant dense<0.000000e+00> : vector<80x128xf32>
    %dot_general3A_49 = tpu.matmul %convert_element_type3A_40, %convert_element_type3A_47, %dot_general3A_48 {dimension_numbers = #tpu.dot_dimension_numbers<[0], [0], [1], [1], [0, 1, 1, 1], [], []>, transpose_lhs_hint = false} : vector<1000x80xbf16>, vector<1000x128xbf16>, vector<80x128xf32> -> vector<80x128xf32>
    %add3A_50 = arith.addf %add3A, %dot_general3A_49 : vector<80x128xf32>
    %get3A_51 = arith.constant 2 : index
    %get3A_52 = arith.constant 0 : index
    %get3A_53 = vector.load %arg1[%get3A_51, %get3A_52] : memref<8x1000xi32, #tpu.memory_space<vmem>>, vector<1x1000xi32>
    %get3A_54 = vector.shape_cast %get3A_53 : vector<1x1000xi32> to vector<1000xi32>
    %shift_right_logical3A_55 = arith.constant 7 : i32
    %shift_right_logical3A_56 = vector.broadcast %shift_right_logical3A_55 : i32 to vector<1000xi32>
    %shift_right_logical3A_57 = arith.shrui %get3A_54, %shift_right_logical3A_56 : vector<1000xi32>
    %and3A_58 = arith.constant 127 : i32
    %and3A_59 = vector.broadcast %and3A_58 : i32 to vector<1000xi32>
    %and3A_60 = arith.andi %get3A_54, %and3A_59 : vector<1000xi32>
    %broadcast_in_dim3A_61 = vector.shape_cast %shift_right_logical3A_57 : vector<1000xi32> to vector<1000x1xi32>
    %iota3A_62 = tpu.iota {dimensions = array<i32: 1>} : vector<1000x80xi32>
    %eq3A_63 = vector.broadcast %broadcast_in_dim3A_61 : vector<1000x1xi32> to vector<1000x80xi32>
    %eq3A_64 = arith.cmpi eq, %eq3A_63, %iota3A_62 : vector<1000x80xi32>
    %convert_element_type3A_65 = arith.extui %eq3A_64 : vector<1000x80xi1> to vector<1000x80xi32>
    %convert_element_type3A_66 = arith.sitofp %convert_element_type3A_65 : vector<1000x80xi32> to vector<1000x80xf32>
    %convert_element_type3A_67 = arith.truncf %convert_element_type3A_66 : vector<1000x80xf32> to vector<1000x80xbf16>
    %broadcast_in_dim3A_68 = vector.shape_cast %and3A_60 : vector<1000xi32> to vector<1000x1xi32>
    %iota3A_69 = tpu.iota {dimensions = array<i32: 1>} : vector<1000x128xi32>
    %eq3A_70 = vector.broadcast %broadcast_in_dim3A_68 : vector<1000x1xi32> to vector<1000x128xi32>
    %eq3A_71 = arith.cmpi eq, %eq3A_70, %iota3A_69 : vector<1000x128xi32>
    %convert_element_type3A_72 = arith.extui %eq3A_71 : vector<1000x128xi1> to vector<1000x128xi32>
    %convert_element_type3A_73 = arith.sitofp %convert_element_type3A_72 : vector<1000x128xi32> to vector<1000x128xf32>
    %convert_element_type3A_74 = arith.truncf %convert_element_type3A_73 : vector<1000x128xf32> to vector<1000x128xbf16>
    %dot_general3A_75 = arith.constant dense<0.000000e+00> : vector<80x128xf32>
    %dot_general3A_76 = tpu.matmul %convert_element_type3A_67, %convert_element_type3A_74, %dot_general3A_75 {dimension_numbers = #tpu.dot_dimension_numbers<[0], [0], [1], [1], [0, 1, 1, 1], [], []>, transpose_lhs_hint = false} : vector<1000x80xbf16>, vector<1000x128xbf16>, vector<80x128xf32> -> vector<80x128xf32>
    %add3A_77 = arith.addf %add3A_50, %dot_general3A_76 : vector<80x128xf32>
    %get3A_78 = arith.constant 3 : index
    %get3A_79 = arith.constant 0 : index
    %get3A_80 = vector.load %arg1[%get3A_78, %get3A_79] : memref<8x1000xi32, #tpu.memory_space<vmem>>, vector<1x1000xi32>
    %get3A_81 = vector.shape_cast %get3A_80 : vector<1x1000xi32> to vector<1000xi32>
    %shift_right_logical3A_82 = arith.constant 7 : i32
    %shift_right_logical3A_83 = vector.broadcast %shift_right_logical3A_82 : i32 to vector<1000xi32>
    %shift_right_logical3A_84 = arith.shrui %get3A_81, %shift_right_logical3A_83 : vector<1000xi32>
    %and3A_85 = arith.constant 127 : i32
    %and3A_86 = vector.broadcast %and3A_85 : i32 to vector<1000xi32>
    %and3A_87 = arith.andi %get3A_81, %and3A_86 : vector<1000xi32>
    %broadcast_in_dim3A_88 = vector.shape_cast %shift_right_logical3A_84 : vector<1000xi32> to vector<1000x1xi32>
    %iota3A_89 = tpu.iota {dimensions = array<i32: 1>} : vector<1000x80xi32>
    %eq3A_90 = vector.broadcast %broadcast_in_dim3A_88 : vector<1000x1xi32> to vector<1000x80xi32>
    %eq3A_91 = arith.cmpi eq, %eq3A_90, %iota3A_89 : vector<1000x80xi32>
    %convert_element_type3A_92 = arith.extui %eq3A_91 : vector<1000x80xi1> to vector<1000x80xi32>
    %convert_element_type3A_93 = arith.sitofp %convert_element_type3A_92 : vector<1000x80xi32> to vector<1000x80xf32>
    %convert_element_type3A_94 = arith.truncf %convert_element_type3A_93 : vector<1000x80xf32> to vector<1000x80xbf16>
    %broadcast_in_dim3A_95 = vector.shape_cast %and3A_87 : vector<1000xi32> to vector<1000x1xi32>
    %iota3A_96 = tpu.iota {dimensions = array<i32: 1>} : vector<1000x128xi32>
    %eq3A_97 = vector.broadcast %broadcast_in_dim3A_95 : vector<1000x1xi32> to vector<1000x128xi32>
    %eq3A_98 = arith.cmpi eq, %eq3A_97, %iota3A_96 : vector<1000x128xi32>
    %convert_element_type3A_99 = arith.extui %eq3A_98 : vector<1000x128xi1> to vector<1000x128xi32>
    %convert_element_type3A_100 = arith.sitofp %convert_element_type3A_99 : vector<1000x128xi32> to vector<1000x128xf32>
    %convert_element_type3A_101 = arith.truncf %convert_element_type3A_100 : vector<1000x128xf32> to vector<1000x128xbf16>
    %dot_general3A_102 = arith.constant dense<0.000000e+00> : vector<80x128xf32>
    %dot_general3A_103 = tpu.matmul %convert_element_type3A_94, %convert_element_type3A_101, %dot_general3A_102 {dimension_numbers = #tpu.dot_dimension_numbers<[0], [0], [1], [1], [0, 1, 1, 1], [], []>, transpose_lhs_hint = false} : vector<1000x80xbf16>, vector<1000x128xbf16>, vector<80x128xf32> -> vector<80x128xf32>
    %add3A_104 = arith.addf %add3A_77, %dot_general3A_103 : vector<80x128xf32>
    %get3A_105 = arith.constant 4 : index
    %get3A_106 = arith.constant 0 : index
    %get3A_107 = vector.load %arg1[%get3A_105, %get3A_106] : memref<8x1000xi32, #tpu.memory_space<vmem>>, vector<1x1000xi32>
    %get3A_108 = vector.shape_cast %get3A_107 : vector<1x1000xi32> to vector<1000xi32>
    %shift_right_logical3A_109 = arith.constant 7 : i32
    %shift_right_logical3A_110 = vector.broadcast %shift_right_logical3A_109 : i32 to vector<1000xi32>
    %shift_right_logical3A_111 = arith.shrui %get3A_108, %shift_right_logical3A_110 : vector<1000xi32>
    %and3A_112 = arith.constant 127 : i32
    %and3A_113 = vector.broadcast %and3A_112 : i32 to vector<1000xi32>
    %and3A_114 = arith.andi %get3A_108, %and3A_113 : vector<1000xi32>
    %broadcast_in_dim3A_115 = vector.shape_cast %shift_right_logical3A_111 : vector<1000xi32> to vector<1000x1xi32>
    %iota3A_116 = tpu.iota {dimensions = array<i32: 1>} : vector<1000x80xi32>
    %eq3A_117 = vector.broadcast %broadcast_in_dim3A_115 : vector<1000x1xi32> to vector<1000x80xi32>
    %eq3A_118 = arith.cmpi eq, %eq3A_117, %iota3A_116 : vector<1000x80xi32>
    %convert_element_type3A_119 = arith.extui %eq3A_118 : vector<1000x80xi1> to vector<1000x80xi32>
    %convert_element_type3A_120 = arith.sitofp %convert_element_type3A_119 : vector<1000x80xi32> to vector<1000x80xf32>
    %convert_element_type3A_121 = arith.truncf %convert_element_type3A_120 : vector<1000x80xf32> to vector<1000x80xbf16>
    %broadcast_in_dim3A_122 = vector.shape_cast %and3A_114 : vector<1000xi32> to vector<1000x1xi32>
    %iota3A_123 = tpu.iota {dimensions = array<i32: 1>} : vector<1000x128xi32>
    %eq3A_124 = vector.broadcast %broadcast_in_dim3A_122 : vector<1000x1xi32> to vector<1000x128xi32>
    %eq3A_125 = arith.cmpi eq, %eq3A_124, %iota3A_123 : vector<1000x128xi32>
    %convert_element_type3A_126 = arith.extui %eq3A_125 : vector<1000x128xi1> to vector<1000x128xi32>
    %convert_element_type3A_127 = arith.sitofp %convert_element_type3A_126 : vector<1000x128xi32> to vector<1000x128xf32>
    %convert_element_type3A_128 = arith.truncf %convert_element_type3A_127 : vector<1000x128xf32> to vector<1000x128xbf16>
    %dot_general3A_129 = arith.constant dense<0.000000e+00> : vector<80x128xf32>
    %dot_general3A_130 = tpu.matmul %convert_element_type3A_121, %convert_element_type3A_128, %dot_general3A_129 {dimension_numbers = #tpu.dot_dimension_numbers<[0], [0], [1], [1], [0, 1, 1, 1], [], []>, transpose_lhs_hint = false} : vector<1000x80xbf16>, vector<1000x128xbf16>, vector<80x128xf32> -> vector<80x128xf32>
    %add3A_131 = arith.addf %add3A_104, %dot_general3A_130 : vector<80x128xf32>
    %get3A_132 = arith.constant 5 : index
    %get3A_133 = arith.constant 0 : index
    %get3A_134 = vector.load %arg1[%get3A_132, %get3A_133] : memref<8x1000xi32, #tpu.memory_space<vmem>>, vector<1x1000xi32>
    %get3A_135 = vector.shape_cast %get3A_134 : vector<1x1000xi32> to vector<1000xi32>
    %shift_right_logical3A_136 = arith.constant 7 : i32
    %shift_right_logical3A_137 = vector.broadcast %shift_right_logical3A_136 : i32 to vector<1000xi32>
    %shift_right_logical3A_138 = arith.shrui %get3A_135, %shift_right_logical3A_137 : vector<1000xi32>
    %and3A_139 = arith.constant 127 : i32
    %and3A_140 = vector.broadcast %and3A_139 : i32 to vector<1000xi32>
    %and3A_141 = arith.andi %get3A_135, %and3A_140 : vector<1000xi32>
    %broadcast_in_dim3A_142 = vector.shape_cast %shift_right_logical3A_138 : vector<1000xi32> to vector<1000x1xi32>
    %iota3A_143 = tpu.iota {dimensions = array<i32: 1>} : vector<1000x80xi32>
    %eq3A_144 = vector.broadcast %broadcast_in_dim3A_142 : vector<1000x1xi32> to vector<1000x80xi32>
    %eq3A_145 = arith.cmpi eq, %eq3A_144, %iota3A_143 : vector<1000x80xi32>
    %convert_element_type3A_146 = arith.extui %eq3A_145 : vector<1000x80xi1> to vector<1000x80xi32>
    %convert_element_type3A_147 = arith.sitofp %convert_element_type3A_146 : vector<1000x80xi32> to vector<1000x80xf32>
    %convert_element_type3A_148 = arith.truncf %convert_element_type3A_147 : vector<1000x80xf32> to vector<1000x80xbf16>
    %broadcast_in_dim3A_149 = vector.shape_cast %and3A_141 : vector<1000xi32> to vector<1000x1xi32>
    %iota3A_150 = tpu.iota {dimensions = array<i32: 1>} : vector<1000x128xi32>
    %eq3A_151 = vector.broadcast %broadcast_in_dim3A_149 : vector<1000x1xi32> to vector<1000x128xi32>
    %eq3A_152 = arith.cmpi eq, %eq3A_151, %iota3A_150 : vector<1000x128xi32>
    %convert_element_type3A_153 = arith.extui %eq3A_152 : vector<1000x128xi1> to vector<1000x128xi32>
    %convert_element_type3A_154 = arith.sitofp %convert_element_type3A_153 : vector<1000x128xi32> to vector<1000x128xf32>
    %convert_element_type3A_155 = arith.truncf %convert_element_type3A_154 : vector<1000x128xf32> to vector<1000x128xbf16>
    %dot_general3A_156 = arith.constant dense<0.000000e+00> : vector<80x128xf32>
    %dot_general3A_157 = tpu.matmul %convert_element_type3A_148, %convert_element_type3A_155, %dot_general3A_156 {dimension_numbers = #tpu.dot_dimension_numbers<[0], [0], [1], [1], [0, 1, 1, 1], [], []>, transpose_lhs_hint = false} : vector<1000x80xbf16>, vector<1000x128xbf16>, vector<80x128xf32> -> vector<80x128xf32>
    %add3A_158 = arith.addf %add3A_131, %dot_general3A_157 : vector<80x128xf32>
    %get3A_159 = arith.constant 6 : index
    %get3A_160 = arith.constant 0 : index
    %get3A_161 = vector.load %arg1[%get3A_159, %get3A_160] : memref<8x1000xi32, #tpu.memory_space<vmem>>, vector<1x1000xi32>
    %get3A_162 = vector.shape_cast %get3A_161 : vector<1x1000xi32> to vector<1000xi32>
    %shift_right_logical3A_163 = arith.constant 7 : i32
    %shift_right_logical3A_164 = vector.broadcast %shift_right_logical3A_163 : i32 to vector<1000xi32>
    %shift_right_logical3A_165 = arith.shrui %get3A_162, %shift_right_logical3A_164 : vector<1000xi32>
    %and3A_166 = arith.constant 127 : i32
    %and3A_167 = vector.broadcast %and3A_166 : i32 to vector<1000xi32>
    %and3A_168 = arith.andi %get3A_162, %and3A_167 : vector<1000xi32>
    %broadcast_in_dim3A_169 = vector.shape_cast %shift_right_logical3A_165 : vector<1000xi32> to vector<1000x1xi32>
    %iota3A_170 = tpu.iota {dimensions = array<i32: 1>} : vector<1000x80xi32>
    %eq3A_171 = vector.broadcast %broadcast_in_dim3A_169 : vector<1000x1xi32> to vector<1000x80xi32>
    %eq3A_172 = arith.cmpi eq, %eq3A_171, %iota3A_170 : vector<1000x80xi32>
    %convert_element_type3A_173 = arith.extui %eq3A_172 : vector<1000x80xi1> to vector<1000x80xi32>
    %convert_element_type3A_174 = arith.sitofp %convert_element_type3A_173 : vector<1000x80xi32> to vector<1000x80xf32>
    %convert_element_type3A_175 = arith.truncf %convert_element_type3A_174 : vector<1000x80xf32> to vector<1000x80xbf16>
    %broadcast_in_dim3A_176 = vector.shape_cast %and3A_168 : vector<1000xi32> to vector<1000x1xi32>
    %iota3A_177 = tpu.iota {dimensions = array<i32: 1>} : vector<1000x128xi32>
    %eq3A_178 = vector.broadcast %broadcast_in_dim3A_176 : vector<1000x1xi32> to vector<1000x128xi32>
    %eq3A_179 = arith.cmpi eq, %eq3A_178, %iota3A_177 : vector<1000x128xi32>
    %convert_element_type3A_180 = arith.extui %eq3A_179 : vector<1000x128xi1> to vector<1000x128xi32>
    %convert_element_type3A_181 = arith.sitofp %convert_element_type3A_180 : vector<1000x128xi32> to vector<1000x128xf32>
    %convert_element_type3A_182 = arith.truncf %convert_element_type3A_181 : vector<1000x128xf32> to vector<1000x128xbf16>
    %dot_general3A_183 = arith.constant dense<0.000000e+00> : vector<80x128xf32>
    %dot_general3A_184 = tpu.matmul %convert_element_type3A_175, %convert_element_type3A_182, %dot_general3A_183 {dimension_numbers = #tpu.dot_dimension_numbers<[0], [0], [1], [1], [0, 1, 1, 1], [], []>, transpose_lhs_hint = false} : vector<1000x80xbf16>, vector<1000x128xbf16>, vector<80x128xf32> -> vector<80x128xf32>
    %add3A_185 = arith.addf %add3A_158, %dot_general3A_184 : vector<80x128xf32>
    %get3A_186 = arith.constant 7 : index
    %get3A_187 = arith.constant 0 : index
    %get3A_188 = vector.load %arg1[%get3A_186, %get3A_187] : memref<8x1000xi32, #tpu.memory_space<vmem>>, vector<1x1000xi32>
    %get3A_189 = vector.shape_cast %get3A_188 : vector<1x1000xi32> to vector<1000xi32>
    %shift_right_logical3A_190 = arith.constant 7 : i32
    %shift_right_logical3A_191 = vector.broadcast %shift_right_logical3A_190 : i32 to vector<1000xi32>
    %shift_right_logical3A_192 = arith.shrui %get3A_189, %shift_right_logical3A_191 : vector<1000xi32>
    %and3A_193 = arith.constant 127 : i32
    %and3A_194 = vector.broadcast %and3A_193 : i32 to vector<1000xi32>
    %and3A_195 = arith.andi %get3A_189, %and3A_194 : vector<1000xi32>
    %broadcast_in_dim3A_196 = vector.shape_cast %shift_right_logical3A_192 : vector<1000xi32> to vector<1000x1xi32>
    %iota3A_197 = tpu.iota {dimensions = array<i32: 1>} : vector<1000x80xi32>
    %eq3A_198 = vector.broadcast %broadcast_in_dim3A_196 : vector<1000x1xi32> to vector<1000x80xi32>
    %eq3A_199 = arith.cmpi eq, %eq3A_198, %iota3A_197 : vector<1000x80xi32>
    %convert_element_type3A_200 = arith.extui %eq3A_199 : vector<1000x80xi1> to vector<1000x80xi32>
    %convert_element_type3A_201 = arith.sitofp %convert_element_type3A_200 : vector<1000x80xi32> to vector<1000x80xf32>
    %convert_element_type3A_202 = arith.truncf %convert_element_type3A_201 : vector<1000x80xf32> to vector<1000x80xbf16>
    %broadcast_in_dim3A_203 = vector.shape_cast %and3A_195 : vector<1000xi32> to vector<1000x1xi32>
    %iota3A_204 = tpu.iota {dimensions = array<i32: 1>} : vector<1000x128xi32>
    %eq3A_205 = vector.broadcast %broadcast_in_dim3A_203 : vector<1000x1xi32> to vector<1000x128xi32>
    %eq3A_206 = arith.cmpi eq, %eq3A_205, %iota3A_204 : vector<1000x128xi32>
    %convert_element_type3A_207 = arith.extui %eq3A_206 : vector<1000x128xi1> to vector<1000x128xi32>
    %convert_element_type3A_208 = arith.sitofp %convert_element_type3A_207 : vector<1000x128xi32> to vector<1000x128xf32>
    %convert_element_type3A_209 = arith.truncf %convert_element_type3A_208 : vector<1000x128xf32> to vector<1000x128xbf16>
    %dot_general3A_210 = arith.constant dense<0.000000e+00> : vector<80x128xf32>
    %dot_general3A_211 = tpu.matmul %convert_element_type3A_202, %convert_element_type3A_209, %dot_general3A_210 {dimension_numbers = #tpu.dot_dimension_numbers<[0], [0], [1], [1], [0, 1, 1, 1], [], []>, transpose_lhs_hint = false} : vector<1000x80xbf16>, vector<1000x128xbf16>, vector<80x128xf32> -> vector<80x128xf32>
    %add3A_212 = arith.addf %add3A_185, %dot_general3A_211 : vector<80x128xf32>
    %get3A_213 = arith.constant 0 : index
    %get3A_214 = arith.constant 0 : index
    %get3A_215 = vector.load %arg2[%get3A_213, %get3A_214] : memref<80x128xf32, #tpu.memory_space<vmem>>, vector<80x128xf32>
    %add3A_216 = arith.addf %get3A_215, %add3A_212 : vector<80x128xf32>
    %swap3A = arith.constant 0 : index
    %swap3A_217 = arith.constant 0 : index
    %swap3A_218 = vector.load %arg2[%swap3A, %swap3A_217] : memref<80x128xf32, #tpu.memory_space<vmem>>, vector<80x128xf32>
    tpu.vector_store %arg2[%swap3A, %swap3A_217], %add3A_216 {strides = array<i32>} : memref<80x128xf32, #tpu.memory_space<vmem>>, vector<80x128xf32>,
    return
  }
  func.func @transform_0(%arg0: i32) -> (i32, i32) {
    %c0_i32 = arith.constant 0 : i32
    %c0_i32_0 = arith.constant 0 : i32
    return %arg0, %c0_i32 : i32, i32
  }
  func.func @transform_1(%arg0: i32) -> (i32, i32) {
    %c0_i32 = arith.constant 0 : i32
    %c0_i32_0 = arith.constant 0 : i32
    %c0_i32_1 = arith.constant 0 : i32
    return %c0_i32, %c0_i32_0 : i32, i32
  }
}

module attributes {stable_mosaic.version = 14 : i64} {
  func.func @_dense_body(%arg0: i32, %arg1: memref<128x128xf32, #tpu.memory_space<vmem>>, %arg2: memref<384x128xf32, #tpu.memory_space<vmem>>, %arg3: memref<384x128xf32, #tpu.memory_space<vmem>>, %arg4: memref<1x384xf32, #tpu.memory_space<vmem>>, %arg5: memref<1x384xf32, #tpu.memory_space<vmem>>, %arg6: memref<1000x128xf32, #tpu.memory_space<vmem>>, %arg7: memref<1x1x1000xf32, #tpu.memory_space<vmem>>, %arg8: memref<1000x128xf32, #tpu.memory_space<vmem>>, %arg9: memref<1000x1xf32, #tpu.memory_space<vmem>>, %arg10: memref<128x128xf32, #tpu.memory_space<vmem>>) attributes {dimension_semantics = [#tpu.dimension_semantics<arbitrary>], iteration_bounds = array<i64: 10>, scalar_prefetch = 0 : i64, scratch_operands = 1 : i64, tpu.core_type = #tpu.core_type<tc>, window_params = [{pipeline_mode = #tpu.pipeline_mode<synchronous>, transform_indices = @transform_0, window_bounds = array<i64: 128, 128>}, {pipeline_mode = #tpu.pipeline_mode<synchronous>, transform_indices = @transform_1, window_bounds = array<i64: 384, 128>}, {pipeline_mode = #tpu.pipeline_mode<synchronous>, transform_indices = @transform_2, window_bounds = array<i64: 384, 128>}, {pipeline_mode = #tpu.pipeline_mode<synchronous>, transform_indices = @transform_3, window_bounds = array<i64: 1, 384>}, {pipeline_mode = #tpu.pipeline_mode<synchronous>, transform_indices = @transform_4, window_bounds = array<i64: 1, 384>}, {transform_indices = @transform_5, window_bounds = array<i64: 1000, 128>}, {transform_indices = @transform_6, window_bounds = array<i64: 1, 1, 1000>}, {transform_indices = @transform_7, window_bounds = array<i64: 1000, 128>}, {transform_indices = @transform_8, window_bounds = array<i64: 1000, 1>}]} {
    %eq3A = arith.constant 0 : i32
    %eq3A_0 = arith.cmpi eq, %arg0, %eq3A : i32
    %convert_element_type3A = arith.extui %eq3A_0 : i1 to i32
    %cond3A = arith.constant 0 : i32
    %cond3A_1 = arith.cmpi ne, %convert_element_type3A, %cond3A : i32
    scf.if %cond3A_1 {
      %get3A_22 = arith.constant 0 : index
      %get3A_23 = arith.constant 0 : index
      %get3A_24 = vector.load %arg1[%get3A_22, %get3A_23] : memref<128x128xf32, #tpu.memory_space<vmem>>, vector<128x128xf32>
      %get3A_25 = arith.constant 0 : index
      %get3A_26 = arith.constant 0 : index
      %get3A_27 = vector.load %arg2[%get3A_25, %get3A_26] : memref<384x128xf32, #tpu.memory_space<vmem>>, vector<384x128xf32>
      %dot_general3A_28 = arith.constant dense<0.000000e+00> : vector<128x384xf32>
      %dot_general3A_29 = tpu.matmul %get3A_24, %get3A_27, %dot_general3A_28 {dimension_numbers = #tpu.dot_dimension_numbers<[1], [1], [0], [0], [0, 0, 1, 0], [], []>, transpose_lhs_hint = false} : vector<128x128xf32>, vector<384x128xf32>, vector<128x384xf32> -> vector<128x384xf32>
      %get3A_30 = arith.constant 0 : index
      %get3A_31 = arith.constant 0 : index
      %get3A_32 = vector.load %arg4[%get3A_30, %get3A_31] : memref<1x384xf32, #tpu.memory_space<vmem>>, vector<1x384xf32>
      %add3A_33 = vector.broadcast %get3A_32 : vector<1x384xf32> to vector<128x384xf32>
      %add3A_34 = arith.addf %dot_general3A_29, %add3A_33 : vector<128x384xf32>
      %get3A_35 = arith.constant 0 : index
      %get3A_36 = arith.constant 0 : index
      %get3A_37 = vector.load %arg3[%get3A_35, %get3A_36] : memref<384x128xf32, #tpu.memory_space<vmem>>, vector<384x128xf32>
      %dot_general3A_38 = arith.constant dense<0.000000e+00> : vector<128x384xf32>
      %dot_general3A_39 = tpu.matmul %get3A_24, %get3A_37, %dot_general3A_38 {dimension_numbers = #tpu.dot_dimension_numbers<[1], [1], [0], [0], [0, 0, 1, 0], [], []>, transpose_lhs_hint = false} : vector<128x128xf32>, vector<384x128xf32>, vector<128x384xf32> -> vector<128x384xf32>
      %get3A_40 = arith.constant 0 : index
      %get3A_41 = arith.constant 0 : index
      %get3A_42 = vector.load %arg5[%get3A_40, %get3A_41] : memref<1x384xf32, #tpu.memory_space<vmem>>, vector<1x384xf32>
      %add3A_43 = vector.broadcast %get3A_42 : vector<1x384xf32> to vector<128x384xf32>
      %add3A_44 = arith.addf %dot_general3A_39, %add3A_43 : vector<128x384xf32>
      %slice3A = vector.extract_strided_slice %add3A_34 {offsets = [0, 0], sizes = [128, 128], strides = [1, 1]} : vector<128x384xf32> to vector<128x128xf32>
      %slice3A_45 = vector.extract_strided_slice %add3A_44 {offsets = [0, 0], sizes = [128, 128], strides = [1, 1]} : vector<128x384xf32> to vector<128x128xf32>
      %add3A_46 = arith.addf %slice3A, %slice3A_45 : vector<128x128xf32>
      %logistic3A = arith.negf %add3A_46 : vector<128x128xf32>
      %logistic3A_47 = math.exp %logistic3A : vector<128x128xf32>
      %logistic3A_48 = arith.constant 1.000000e+00 : f32
      %logistic3A_49 = vector.broadcast %logistic3A_48 : f32 to vector<128x128xf32>
      %logistic3A_50 = arith.addf %logistic3A_49, %logistic3A_47 : vector<128x128xf32>
      %logistic3A_51 = arith.divf %logistic3A_49, %logistic3A_50 : vector<128x128xf32>
      %slice3A_52 = vector.extract_strided_slice %add3A_34 {offsets = [0, 128], sizes = [128, 128], strides = [1, 1]} : vector<128x384xf32> to vector<128x128xf32>
      %slice3A_53 = vector.extract_strided_slice %add3A_44 {offsets = [0, 128], sizes = [128, 128], strides = [1, 1]} : vector<128x384xf32> to vector<128x128xf32>
      %add3A_54 = arith.addf %slice3A_52, %slice3A_53 : vector<128x128xf32>
      %logistic3A_55 = arith.negf %add3A_54 : vector<128x128xf32>
      %logistic3A_56 = math.exp %logistic3A_55 : vector<128x128xf32>
      %logistic3A_57 = arith.constant 1.000000e+00 : f32
      %logistic3A_58 = vector.broadcast %logistic3A_57 : f32 to vector<128x128xf32>
      %logistic3A_59 = arith.addf %logistic3A_58, %logistic3A_56 : vector<128x128xf32>
      %logistic3A_60 = arith.divf %logistic3A_58, %logistic3A_59 : vector<128x128xf32>
      %slice3A_61 = vector.extract_strided_slice %add3A_34 {offsets = [0, 256], sizes = [128, 128], strides = [1, 1]} : vector<128x384xf32> to vector<128x128xf32>
      %slice3A_62 = vector.extract_strided_slice %add3A_44 {offsets = [0, 256], sizes = [128, 128], strides = [1, 1]} : vector<128x384xf32> to vector<128x128xf32>
      %mul3A_63 = arith.mulf %logistic3A_51, %slice3A_62 : vector<128x128xf32>
      %add3A_64 = arith.addf %slice3A_61, %mul3A_63 : vector<128x128xf32>
      %tanh3A = math.tanh %add3A_64 : vector<128x128xf32>
      %sub3A = arith.constant 1.000000e+00 : f32
      %sub3A_65 = vector.broadcast %sub3A : f32 to vector<128x128xf32>
      %sub3A_66 = arith.subf %sub3A_65, %logistic3A_60 : vector<128x128xf32>
      %mul3A_67 = arith.mulf %sub3A_66, %tanh3A : vector<128x128xf32>
      %mul3A_68 = arith.mulf %logistic3A_60, %get3A_24 : vector<128x128xf32>
      %add3A_69 = arith.addf %mul3A_67, %mul3A_68 : vector<128x128xf32>
      %swap3A_70 = arith.constant 0 : index
      %swap3A_71 = arith.constant 0 : index
      %swap3A_72 = vector.load %arg10[%swap3A_70, %swap3A_71] : memref<128x128xf32, #tpu.memory_space<vmem>>, vector<128x128xf32>
      tpu.vector_store %arg10[%swap3A_70, %swap3A_71], %add3A_69 {strides = array<i32>} : memref<128x128xf32, #tpu.memory_space<vmem>>, vector<128x128xf32>,
    } else {
    }
    %get3A = arith.constant 0 : index
    %get3A_2 = arith.constant 0 : index
    %get3A_3 = arith.constant 0 : index
    %get3A_4 = vector.load %arg7[%get3A, %get3A_2, %get3A_3] : memref<1x1x1000xf32, #tpu.memory_space<vmem>>, vector<1x1x1000xf32>
    %get3A_5 = vector.shape_cast %get3A_4 : vector<1x1x1000xf32> to vector<1000xf32>
    %add3A = arith.constant 1.000000e+00 : f32
    %add3A_6 = vector.broadcast %add3A : f32 to vector<1000xf32>
    %add3A_7 = arith.addf %get3A_5, %add3A_6 : vector<1000xf32>
    %rsqrt3A = math.rsqrt %add3A_7 : vector<1000xf32>
    %get3A_8 = arith.constant 0 : index
    %get3A_9 = arith.constant 0 : index
    %get3A_10 = vector.load %arg6[%get3A_8, %get3A_9] : memref<1000x128xf32, #tpu.memory_space<vmem>>, vector<1000x128xf32>
    %get3A_11 = arith.constant 0 : index
    %get3A_12 = arith.constant 0 : index
    %get3A_13 = vector.load %arg10[%get3A_11, %get3A_12] : memref<128x128xf32, #tpu.memory_space<vmem>>, vector<128x128xf32>
    %dot_general3A = arith.constant dense<0.000000e+00> : vector<1000x128xf32>
    %dot_general3A_14 = tpu.matmul %get3A_10, %get3A_13, %dot_general3A {dimension_numbers = #tpu.dot_dimension_numbers<[1], [0], [0], [1], [0, 0, 1, 1], [], []>, transpose_lhs_hint = false} : vector<1000x128xf32>, vector<128x128xf32>, vector<1000x128xf32> -> vector<1000x128xf32>
    %broadcast_in_dim3A = vector.shape_cast %rsqrt3A : vector<1000xf32> to vector<1000x1xf32>
    %mul3A = vector.broadcast %broadcast_in_dim3A : vector<1000x1xf32> to vector<1000x128xf32>
    %mul3A_15 = arith.mulf %mul3A, %dot_general3A_14 : vector<1000x128xf32>
    %swap3A = arith.constant 0 : index
    %swap3A_16 = arith.constant 0 : index
    %swap3A_17 = vector.load %arg8[%swap3A, %swap3A_16] : memref<1000x128xf32, #tpu.memory_space<vmem>>, vector<1000x128xf32>
    tpu.vector_store %arg8[%swap3A, %swap3A_16], %mul3A_15 {strides = array<i32>} : memref<1000x128xf32, #tpu.memory_space<vmem>>, vector<1000x128xf32>,
    %broadcast_in_dim3A_18 = vector.shape_cast %rsqrt3A : vector<1000xf32> to vector<1000x1xf32>
    %swap3A_19 = arith.constant 0 : index
    %swap3A_20 = arith.constant 0 : index
    %swap3A_21 = vector.load %arg9[%swap3A_19, %swap3A_20] : memref<1000x1xf32, #tpu.memory_space<vmem>>, vector<1000x1xf32>
    tpu.vector_store %arg9[%swap3A_19, %swap3A_20], %broadcast_in_dim3A_18 {strides = array<i32>} : memref<1000x1xf32, #tpu.memory_space<vmem>>, vector<1000x1xf32>,
    return
  }
  func.func @transform_0(%arg0: i32) -> (i32, i32) {
    %c0_i32 = arith.constant 0 : i32
    %c0_i32_0 = arith.constant 0 : i32
    %c0_i32_1 = arith.constant 0 : i32
    return %c0_i32, %c0_i32_0 : i32, i32
  }
  func.func @transform_1(%arg0: i32) -> (i32, i32) {
    %c0_i32 = arith.constant 0 : i32
    %c0_i32_0 = arith.constant 0 : i32
    %c0_i32_1 = arith.constant 0 : i32
    return %c0_i32, %c0_i32_0 : i32, i32
  }
  func.func @transform_2(%arg0: i32) -> (i32, i32) {
    %c0_i32 = arith.constant 0 : i32
    %c0_i32_0 = arith.constant 0 : i32
    %c0_i32_1 = arith.constant 0 : i32
    return %c0_i32, %c0_i32_0 : i32, i32
  }
  func.func @transform_3(%arg0: i32) -> (i32, i32) {
    %c0_i32 = arith.constant 0 : i32
    %c0_i32_0 = arith.constant 0 : i32
    %c0_i32_1 = arith.constant 0 : i32
    return %c0_i32, %c0_i32_0 : i32, i32
  }
  func.func @transform_4(%arg0: i32) -> (i32, i32) {
    %c0_i32 = arith.constant 0 : i32
    %c0_i32_0 = arith.constant 0 : i32
    %c0_i32_1 = arith.constant 0 : i32
    return %c0_i32, %c0_i32_0 : i32, i32
  }
  func.func @transform_5(%arg0: i32) -> (i32, i32) {
    %c0_i32 = arith.constant 0 : i32
    %c0_i32_0 = arith.constant 0 : i32
    return %arg0, %c0_i32 : i32, i32
  }
  func.func @transform_6(%arg0: i32) -> (i32, i32, i32) {
    %c0_i32 = arith.constant 0 : i32
    %c0_i32_0 = arith.constant 0 : i32
    %c0_i32_1 = arith.constant 0 : i32
    return %arg0, %c0_i32, %c0_i32_0 : i32, i32, i32
  }
  func.func @transform_7(%arg0: i32) -> (i32, i32) {
    %c0_i32 = arith.constant 0 : i32
    %c0_i32_0 = arith.constant 0 : i32
    return %arg0, %c0_i32 : i32, i32
  }
  func.func @transform_8(%arg0: i32) -> (i32, i32) {
    %c0_i32 = arith.constant 0 : i32
    %c0_i32_0 = arith.constant 0 : i32
    return %arg0, %c0_i32 : i32, i32
  }
}

module attributes {stable_mosaic.version = 14 : i64} {
  func.func @_final_body(%arg0: i32, %arg1: memref<2x1000x128xf32, #tpu.memory_space<vmem>>, %arg2: memref<1000x128xf32, #tpu.memory_space<vmem>>, %arg3: memref<1000x1xf32, #tpu.memory_space<vmem>>, %arg4: memref<1000x128xf32, #tpu.memory_space<vmem>>) attributes {dimension_semantics = [#tpu.dimension_semantics<arbitrary>], iteration_bounds = array<i64: 10>, scalar_prefetch = 0 : i64, scratch_operands = 0 : i64, tpu.core_type = #tpu.core_type<tc>, window_params = [{transform_indices = @transform_0, window_bounds = array<i64: 2, 1000, 128>}, {transform_indices = @transform_1, window_bounds = array<i64: 1000, 128>}, {transform_indices = @transform_2, window_bounds = array<i64: 1000, 1>}, {transform_indices = @transform_3, window_bounds = array<i64: 1000, 128>}]} {
    %get3A = arith.constant 0 : index
    %get3A_0 = arith.constant 0 : index
    %get3A_1 = vector.load %arg3[%get3A, %get3A_0] : memref<1000x1xf32, #tpu.memory_space<vmem>>, vector<1000x1xf32>
    %get3A_2 = arith.constant 0 : index
    %get3A_3 = arith.constant 0 : index
    %get3A_4 = arith.constant 0 : index
    %get3A_5 = vector.load %arg1[%get3A_2, %get3A_3, %get3A_4] : memref<2x1000x128xf32, #tpu.memory_space<vmem>>, vector<1x1000x128xf32>
    %get3A_6 = vector.shape_cast %get3A_5 : vector<1x1000x128xf32> to vector<1000x128xf32>
    %get3A_7 = arith.constant 1 : index
    %get3A_8 = arith.constant 0 : index
    %get3A_9 = arith.constant 0 : index
    %get3A_10 = vector.load %arg1[%get3A_7, %get3A_8, %get3A_9] : memref<2x1000x128xf32, #tpu.memory_space<vmem>>, vector<1x1000x128xf32>
    %get3A_11 = vector.shape_cast %get3A_10 : vector<1x1000x128xf32> to vector<1000x128xf32>
    %add3A = arith.addf %get3A_6, %get3A_11 : vector<1000x128xf32>
    %get3A_12 = arith.constant 0 : index
    %get3A_13 = arith.constant 0 : index
    %get3A_14 = vector.load %arg2[%get3A_12, %get3A_13] : memref<1000x128xf32, #tpu.memory_space<vmem>>, vector<1000x128xf32>
    %add3A_15 = arith.addf %add3A, %get3A_14 : vector<1000x128xf32>
    %mul3A = vector.broadcast %get3A_1 : vector<1000x1xf32> to vector<1000x128xf32>
    %mul3A_16 = arith.mulf %mul3A, %add3A_15 : vector<1000x128xf32>
    %swap3A = arith.constant 0 : index
    %swap3A_17 = arith.constant 0 : index
    %swap3A_18 = vector.load %arg4[%swap3A, %swap3A_17] : memref<1000x128xf32, #tpu.memory_space<vmem>>, vector<1000x128xf32>
    tpu.vector_store %arg4[%swap3A, %swap3A_17], %mul3A_16 {strides = array<i32>} : memref<1000x128xf32, #tpu.memory_space<vmem>>, vector<1000x128xf32>,
    return
  }
  func.func @transform_0(%arg0: i32) -> (i32, i32, i32) {
    %c0_i32 = arith.constant 0 : i32
    %c0_i32_0 = arith.constant 0 : i32
    %c0_i32_1 = arith.constant 0 : i32
    return %c0_i32, %arg0, %c0_i32_0 : i32, i32, i32
  }
  func.func @transform_1(%arg0: i32) -> (i32, i32) {
    %c0_i32 = arith.constant 0 : i32
    %c0_i32_0 = arith.constant 0 : i32
    return %arg0, %c0_i32 : i32, i32
  }
  func.func @transform_2(%arg0: i32) -> (i32, i32) {
    %c0_i32 = arith.constant 0 : i32
    %c0_i32_0 = arith.constant 0 : i32
    return %arg0, %c0_i32 : i32, i32
  }
  func.func @transform_3(%arg0: i32) -> (i32, i32) {
    %c0_i32 = arith.constant 0 : i32
    %c0_i32_0 = arith.constant 0 : i32
    return %arg0, %c0_i32 : i32, i32
  }
}

</mosaic_0001>

<sc_bundles>
// kernel: kernel.6.cloned.1.call-start
scs
__scs_entry_jumppad:
0x0: {  	(pc) =	sbr.rel $0x88, $3  }
0x1: {  	(tag) =	ssettag $0x0;
	lr =	simm.s32 $0x1  }
0x2: {  	[smem:$0x3F9A] =	sst lr;
	_ =	strace $0xD0000000  }
0x3: {  	_ = 	snop  }
0x4: {  	_ = 	snop  }
0x5: {  	_ = 	snop  }
0x6: {  	_ = 	snop  }
0x7: {  	_ = 	snop  }
__scs_overlays_trampoline_lowered:
0x8: {  	[smem:$0x3FA9] =	sst s0  }
0x9: {  	[smem:$0x3FAA] =	sst s1  }
0xa: {  	[smem:$0x3FAB] =	sst s2  }
0xb: {  	[smem:$0x3FAC] =	sst s3  }
0xc: {  	[smem:$0x3FAD] =	sst s4  }
0xd: {  	[smem:$0x3FAE] =	sst s5  }
0xe: {  	[smem:$0x3FAF] =	sst s6  }
0xf: {  	[smem:$0x3FB0] =	sst s7  }
0x10: {  	[smem:$0x3FB1] =	sst s8  }
0x11: {  	[smem:$0x3FB2] =	sst s9;
	s0 =	simm.s32 @!p0 $0x0  }
0x12: {  	s1 =	sld [smem:$0x3F98];
	s0 =	simm.s32 @p0 $0x1  }
0x13: {  	[smem:$0x3FB3] =	sst s0;
	s0 =	simm.s32 @!p1 $0x0  }
0x14: {  	s2 =	sld [smem:$0x3F97];
	s0 =	simm.s32 @p1 $0x1  }
0x15: {  	[smem:$0x3FB4] =	sst s0;
	s0 =	simm.s32 @!p2 $0x0  }
0x16: {  	s3 =	sld [smem:$0x3FDB];
	s0 =	simm.s32 @p2 $0x1  }
0x17: {  	s4 =	simm.s32 $0x1BF5;
	[smem:$0x3FB6] =	sst s0  }
0x18: {  	s0 =	sld [smem:$0x3F99];
	_ =	swait.ge [sflag:s4], $0x0  }
0x19: {  	s7 =	sld [smem:$0x3F9A]  }
0x1a: {  	s8 =	sadd.s32 $0xFFFFE003, lr  }
0x1b: {  	s9 =	sadd.s32 $0xFFFFFEF7, lr;
	s5 =	simm.s32 $0xFFFFFFFF;
	p2 =	slt.u32 s8, $0xFFFFF086  }
0x1c: {  	p1 =	slt.u32 s9, $0xF7A;
	s5 =	simm.s32 @!p2 $0x0  }
0x1d: {  	s5 =	simm.s32 @p1 $0x1;
	p0 =	seq.s32 s7, s2  }
0x1e: {  	s7 =	smul.u32 @!p0 $0xF7A, s2;
	p2 =	seq.s32 @!p0 s5, $0x0  }
0x1f: {  	s9 =	smul.u32 $0xF7A, s1;
	s8 =	simm.s32 @!p0 $0x1BF5;
	p2 =	por !p2, p0  }
0x20: {  	[sflag:s8] =	ssyncset.s32 @!p0 $0xFFFFF086;
	s6 =	sadd.s32 @!p0 s3, s7;
	s7 =	simm.s32 @!p0 $0x108  }
0x21: {  	s3 =	sadd.s32 s3, s9;
	s6 =	sadd.s32 @!p0 $0x88, s6;
	s7 =	simm.s32 @p2 $0x1082  }
0x22: {  	[simem:s7], [sflag:s8] =	dma.local @!p0 [hbm:s6], $0xF7A  }
0x23: {  	s9 =	sor.u32 $0xD0000000, s2;
	s6 =	simm.s32 $0x108;
	_ =	swait.ge @!p0 [sflag:s8], $0x0  }
0x24: {  	s3 =	sadd.s32 $0x88, s3;
	s6 =	simm.s32 @!p1 $0x1082;
	[sflag:s4] =	ssyncset.s32 $0xFFFFF086  }
0x25: {  	[simem:s6], [sflag:s4] =	dma.local [hbm:s3], $0xF7A  }
0x26: {  	[smem:$0x3F9A] =	sst s1;
	(tag) =	ssettag s2;
	_ =	strace s9  }
0x27: {  	s1 =	sld [smem:$0x3FAA]  }
0x28: {  	s2 =	sld [smem:$0x3FAB]  }
0x29: {  	s4 =	sld [smem:$0x3FAD]  }
0x2a: {  	p0 =	seq.s32 s5, $0x0;
	s5 =	sld [smem:$0x3FAE]  }
0x2b: {  	s6 =	sld [smem:$0x3FAF]  }
0x2c: {  	s7 =	sld [smem:$0x3FB0]  }
0x2d: {  	s3 =	simm.s32 $0x108;
	s8 =	sld [smem:$0x3FB1]  }
0x2e: {  	s3 =	simm.s32 @!p0 $0x1082;
	s9 =	sld [smem:$0x3FB2]  }
0x2f: {  	lr =	sadd.s32 s0, s3;
	s0 =	sld [smem:$0x3FA9]  }
0x30: {  	s3 =	sld [smem:$0x3FAC]  }
0x31: {  	[smem:$0x3FB5] =	sst s10  }
0x32: {  	s10 =	sld [smem:$0x3FB3];
	_ =	sdelay $0x3  }
0x33: {  	p0 =	seq.s32 s10, $0x1;
	s10 =	sld [smem:$0x3FB5];
	_ =	sdelay $0x3  }
0x34: {  	[smem:$0x3FB5] =	sst s10  }
0x35: {  	s10 =	sld [smem:$0x3FB4];
	_ =	sdelay $0x3  }
0x36: {  	p1 =	seq.s32 s10, $0x1;
	s10 =	sld [smem:$0x3FB5];
	_ =	sdelay $0x3  }
0x37: {  	[smem:$0x3FB5] =	sst s10  }
0x38: {  	s10 =	sld [smem:$0x3FB6]  }
0x39: {  	_ = 	snop;
	(pc) =	sbr.ind lr, $3  }
0x3a: {  	_ = 	snop  }
0x3b: {  	_ = 	snop  }
0x3c: {  	p2 =	seq.s32 s10, $0x1;
	s10 =	sld [smem:$0x3FB5]  }
0x3d: {  	_ =	shalt  }
0x3e: {  	_ =	shalt  }
0x3f: {  	_ =	shalt  }
0x40: {  	_ =	shalt  }
0x41: {  	_ =	shalt  }
0x42: {  	_ =	shalt  }
0x43: {  	_ =	shalt  }
0x44: {  	_ =	shalt  }
0x45: {  	_ =	shalt  }
0x46: {  	_ =	shalt  }
0x47: {  	_ =	shalt  }
0x48: {  	_ =	shalt  }
0x49: {  	_ =	shalt  }
0x4a: {  	_ =	shalt  }
0x4b: {  	_ =	shalt  }
0x4c: {  	_ =	shalt  }
0x4d: {  	_ =	shalt  }
0x4e: {  	_ =	shalt  }
0x4f: {  	_ =	shalt  }
0x50: {  	_ =	shalt  }
0x51: {  	_ =	shalt  }
0x52: {  	_ =	shalt  }
0x53: {  	_ =	shalt  }
0x54: {  	_ =	shalt  }
0x55: {  	_ =	shalt  }
0x56: {  	_ =	shalt  }
0x57: {  	_ =	shalt  }
0x58: {  	_ =	shalt  }
0x59: {  	_ =	shalt  }
0x5a: {  	_ =	shalt  }
0x5b: {  	_ =	shalt  }
0x5c: {  	_ =	shalt  }
0x5d: {  	_ =	shalt  }
0x5e: {  	_ =	shalt  }
0x5f: {  	_ =	shalt  }
0x60: {  	_ =	shalt  }
0x61: {  	_ =	shalt  }
0x62: {  	_ =	shalt  }
0x63: {  	_ =	shalt  }
0x64: {  	_ =	shalt  }
0x65: {  	_ =	shalt  }
0x66: {  	_ =	shalt  }
0x67: {  	_ =	shalt  }
0x68: {  	_ =	shalt  }
0x69: {  	_ =	shalt  }
0x6a: {  	_ =	shalt  }
0x6b: {  	_ =	shalt  }
0x6c: {  	_ =	shalt  }
0x6d: {  	_ =	shalt  }
0x6e: {  	_ =	shalt  }
0x6f: {  	_ =	shalt  }
0x70: {  	_ =	shalt  }
0x71: {  	_ =	shalt  }
0x72: {  	_ =	shalt  }
0x73: {  	_ =	shalt  }
0x74: {  	_ =	shalt  }
0x75: {  	_ =	shalt  }
0x76: {  	_ =	shalt  }
0x77: {  	_ =	shalt  }
0x78: {  	_ =	shalt  }
0x79: {  	_ =	shalt  }
0x7a: {  	_ =	shalt  }
0x7b: {  	_ =	shalt  }
0x7c: {  	_ =	shalt  }
0x7d: {  	_ =	shalt  }
0x7e: {  	_ =	shalt  }
0x7f: {  	_ =	shalt  }
0x80: {  	_ =	shalt  }
0x81: {  	_ =	shalt  }
0x82: {  	_ =	shalt  }
0x83: {  	_ =	shalt  }
0x84: {  	_ =	shalt  }
0x85: {  	_ =	shalt  }
0x86: {  	_ =	shalt  }
0x87: {  	_ =	shalt  }
.Lfunc_end0:
.L_simem_size_0:
called_computation_lowered:
.L_overlay_start_0:
0x88: {  	s2 =	sld [smem:$0x3FD9]  }
0x89: {  	s3 =	sld [smem:$0x3FFE];
	_ =	sdelay $0x1  }
0x8a: {  	s1 =	srdreg.scid  }
0x8b: {  	s0 =	sand.u32 $0x1, s1  }
0x8c: {  	s17 =	sshll.u32 s0, $0xA;
	s2 =	sadd.s32 s3, s2  }
0x8d: {  	s2 =	sadd.s32 s2, s17  }
0x8e: {  	[smem:$0x3FC1] =	sst s2  }
0x8f: {  	_ = 	snop  }
0x90: {  	s2 =	sld [smem:$0x3FD0];
	(tm) =	ssettm $0x1  }
0x91: {  	s18 =	sld [smem:$0x3FFB];
	_ =	sdelay $0x3  }
0x92: {  	_ =	strace s18  }
0x93: {  	s3 =	sld [smem:$0x3FFC];
	_ =	sdelay $0x3  }
0x94: {  	_ =	strace s3  }
0x95: {  	s3 =	sld [smem:$0x3FFD];
	_ =	sdelay $0x3  }
0x96: {  	_ =	strace s3  }
0x97: {  	_ =	strace $0x8FFFFFFF  }
0x98: {  	s19 =	sld [smem:$0x3FDB];
	_ =	sdelay $0x1  }
0x99: {  	s4 =	simm.s32 $_scs_section_size  }
0x9a: {  	s5 =	simm.s32 $_size__tile_overlayer_lowered;
	s6 =	simm.s32 $_tile_overlayer_lowered  }
0x9b: {  	s22 =	simm.s32 $0x1BFF;
	s21 =	sshll.u32 s6, $0x1;
	s3 =	sadd.s32 s4, s19  }
0x9c: {  	s7 =	simm.s32 $0x0;
	s20 =	sshll.u32 s5, $0x1;
	s5 =	sadd.s32 s21, s3  }
0x9d: {  	[timem:s7], [sflag:s22] =	dma.local [hbm:s5], s20  }
0x9e: {  	_ =	swait.ge [sflag:s22], s20  }
0x9f: {  	s4 =	ssub.s32 $0x0, s20;
	[sflag:s22] =	ssyncset.done $0x0  }
0xa0: {  	[sflag:s22] =	ssyncadd.s32 s4;
	_ =	sdelay $0x1  }
0xa1: {  	s23 =	simm.s32 $0x1B8B  }
0xa2: {  	_ =	swait.ge [sflag:s23], $0x1  }
0xa3: {  	[sflag:s23] =	ssyncset.done $0x0  }
0xa4: {  	s25 =	simm.s32 $0x1B8E;
	s24 =	sld [smem:$0x3FFE];
	[sflag:s23] =	ssyncadd.s32 $0xFFFFFFFF  }
0xa5: {  	s26 =	simm.s32 $execute0_lowered;
	[smem:$0x3FD2] =	sst s25  }
0xa6: {  	s5 =	sshll.u32 s26, $0x1;
	_ =	strace $0x80000046;
	[dreg:$0x1] =	wrdreg $0xFFFFFFFF  }
0xa7: {  	s28 =	simm.s32 $_size_execute0_lowered;
	s3 =	sadd.s32 s3, s5;
	[dreg:$0x0] =	wrdreg $0x0  }
0xa8: {  	s5 =	sshll.u32 s28, $0x1;
	[dreg:$0x2] =	wrdreg s3  }
0xa9: {  	[dreg:$0x3] =	wrdreg s5  }
0xaa: {  	[dreg:$0x4] =	wrdreg $0xC0  }
0xab: {  	_ =	task [dreg:s7], $0x5FFFF  }
0xac: {  	[dreg:$0x1] =	wrdreg $0xFFFFFFFF  }
0xad: {  	[dreg:$0x0] =	wrdreg $0x60  }
0xae: {  	[dreg:$0x2] =	wrdreg s24  }
0xaf: {  	[dreg:$0x3] =	wrdreg s2  }
0xb0: {  	[dreg:$0x4] =	wrdreg $0xA0000  }
0xb1: {  	[dreg:$0x5] =	wrdreg $0x9  }
0xb2: {  	_ =	task.clear_ibuf [dreg:s7], $0x6FFFF;
	_ =	strace $0x90000046  }
0xb3: {  	s29 =	simm.s32 $0x9;
	_ =	strace $0x80000048  }
0xb4: {  	_ =	swait.ge [sflag:s29], $0x1  }
0xb5: {  	[sflag:s29] =	ssyncadd.s32 $0xFFFFFFFF  }
0xb6: {  	_ =	strace $0x90000048  }
0xb7: {  	_ =	sfence  }
0xb8: {  	s30 =	sld [smem:$0x0];
	_ =	sdelay $0x2  }
0xb9: {  	s31 =	sshll.u32 s1, $0xD;
	s1 =	sshrl.u32 s1, $0x2  }
0xba: {  	s3 =	sand.u32 $0x4000, s31;
	s1 =	sadd.s32 s1, s30  }
0xbb: {  	s0 =	sor.u32 s3, s0;
	s1 =	sshll.u32 s1, $0x11  }
0xbc: {  	s0 =	sor.u32 s1, s0  }
0xbd: {  	s0 =	sadd.s32 $0x8F2B, s0  }
0xbe: {  	[sflag:s0] =	ssyncadd.remote.s32 $0x1  }
0xbf: {  	_ =	sfence.sel $0xFFFF  }
0xc0: {  	[dreg:$0x0] =	wrdreg $0xFFFFFFFF;
	(pc) =	sbr.abs _section_cstart, $3  }
0xc1: {  	[dreg:$0x1] =	wrdreg $0xFFFFFFFF  }
0xc2: {  	_ =	task.clear_ibuf [dreg:s7], $0x2FFFF;
	_ =	strace $0x9FFFFFFF  }
0xc3: {  	(tm) =	ssettm $0x7FFFFFFF  }
tec
execute0_lowered:
.L_overlay_start_1:
0x0: {  	(tag) =	ssettag $0x1  }
0x1: {  	s0 =	rddreg [dreg:$0x0]  }
0x2: {  	s1 =	rddreg [dreg:$0x1]  }
0x3: {  	s2 =	rddreg [dreg:$0x2];
	s4 =	simm.s32 $0x0;
	s3 =	srdreg.scid  }
0x4: {  	s14 =	stileid.u32;
	s23 =	simm.s32 $0x6000;
	s24 =	simm.s32 $0x1  }
0x5: {  	s25 =	simm.s32 $0x2;
	s26 =	simm.s32 $0x1F00;
	s28 =	simm.s32 $0x1F80  }
0x6: {  	s29 =	simm.s32 $0x0;
	[smem:$0x7FF] =	sst s4;
	s7 =	smul.u32 $0x4F000, s14  }
0x7: {  	s3 =	sand.u32 $0x1, s3;
	s5 =	sadd.s32 $0x12000, s0;
	s12 =	smul.u32 $0x13C00, s14  }
0x8: {  	s6 =	sadd.s32 $0x2000, s0;
	s0 =	sadd.s32 $0x22000, s0;
	s14 =	sshll.u32 s14, $0xF  }
0x9: {  	_ =	strace $0x80000047;
	s8 =	ssub.s32 $0x2, s3;
	s19 =	smul.u32 $0x13C000, s3  }
0xa: {  	s20 =	sshll.u32 s3, $0xE;
	p0 =	sne.s32 s3, $0x0;
	s9 =	sshrl.u32 s8, $0x1  }
0xb: {  	s7 =	sshrl.u32 s7, $0x2;
	s13 =	sadd.s32 $0x4000, s12;
	s15 =	sadd.s32 $0x8000, s12  }
0xc: {  	s16 =	sadd.s32 $0xC000, s12;
	s17 =	sadd.s32 $0x10000, s12;
	s18 =	ssub.s32 s8, s9  }
0xd: {  	s7 =	sadd.s32 s7, s2;
	s8 =	sadd.s32 s13, s2;
	s9 =	sadd.s32 s15, s2  }
0xe: {  	s10 =	sadd.s32 s16, s2;
	s11 =	sadd.s32 s17, s2;
	s12 =	sadd.s32 s12, s19  }
0xf: {  	s13 =	sadd.s32 s19, s13;
	s15 =	sadd.s32 s19, s15;
	s16 =	sadd.s32 s19, s16  }
0x10: {  	s17 =	sadd.s32 s19, s17;
	s19 =	simm.s32 $0x2000;
	s21 =	sshrl.u32 s12, $0x3  }
0x11: {  	s22 =	sshrl.u32 s13, $0x3;
	s12 =	sor.u32 s20, s14;
	s15 =	sshrl.u32 s15, $0x3  }
0x12: {  	s16 =	sshrl.u32 s16, $0x3;
	s17 =	sshrl.u32 s17, $0x3;
	s18 =	smax.u32 s18, $0x1  }
0x13: {  	s20 =	simm.s32 $0x3;
	s31 =	sadd.s32 s0, s21;
	s14 =	sadd.s32 s0, s22  }
0x14: {  	s15 =	sadd.s32 s0, s15;
	s16 =	sadd.s32 s0, s16;
	s17 =	sadd.s32 s0, s17  }
0x15: {  	v0 =	vimm.f32 $0.0e+00;
	s21 =	simm.s32 $0x1000;
	s22 =	simm.s32 $0x80;
	[dreg:$0x4] =	wrdreg s31  }
.LBB2_1:
0x16: {  	s0 =	simm.s32 $0x0;
	s30 =	simm.s32 $0x200  }
.LBB2_2:
0x17: {  	p1 =	sne.s32 s30, $0xFE00;
	[tilespmem:s0+$0x2070] =	vst v0  }
0x18: {  	[tilespmem:s0+$0x2000] =	vst v0  }
0x19: {  	[tilespmem:s0+$0x2010] =	vst v0  }
.Ltmp0:
0x1a: {  	[tilespmem:s0+$0x2020] =	vst v0;
	(pc) =	sbr.rel @p1 .LBB2_2-.Ltmp0, $4  }
0x1b: {  	[tilespmem:s0+$0x2030] =	vst v0  }
0x1c: {  	[tilespmem:s0+$0x2040] =	vst v0  }
0x1d: {  	[tilespmem:s0+$0x2050] =	vst v0  }
0x1e: {  	[tilespmem:s0+$0x2060] =	vst v0;
	s0 =	sshra.s32 s30, $0x2;
	s30 =	sadd.s32 $0x200, s30  }
0x1f: {  	[tilespmem:s0+$0x2070] =	vst v0  }
0x20: {  	[tilespmem:s0+$0x2000] =	vst v0  }
0x21: {  	[tilespmem:s0+$0x2010] =	vst v0  }
0x22: {  	[tilespmem:s0+$0x2020] =	vst v0  }
0x23: {  	[tilespmem:s0+$0x2030] =	vst v0  }
0x24: {  	[tilespmem:s0+$0x2040] =	vst v0  }
0x25: {  	[tilespmem:s0+$0x2050] =	vst v0  }
0x26: {  	[tilespmem:s0+$0x2060] =	vst v0  }
0x27: {  	[spmem:s7] =	stream.linear.scatter [tilespmem:s19], [sflag:$0x3], $0x4000, $0x38;
	[tilespmem:$0x1DC00] =	vst v63  }
0x28: {  	_ =	swait.ge [sflag:s20], $0x4000  }
0x29: {  	[sflag:s20] =	ssyncset.done $0x0  }
0x2a: {  	[sflag:s20] =	ssyncadd.s32 $0xFFFFC000  }
0x2b: {  	[spmem:s8] =	stream.linear.scatter [tilespmem:s19], [sflag:$0x3], $0x4000, $0x38;
	[tilespmem:$0x1DC00] =	vst v63  }
0x2c: {  	_ =	swait.ge [sflag:s20], $0x4000  }
0x2d: {  	[sflag:s20] =	ssyncset.done $0x0  }
0x2e: {  	[sflag:s20] =	ssyncadd.s32 $0xFFFFC000  }
0x2f: {  	[spmem:s9] =	stream.linear.scatter [tilespmem:s19], [sflag:$0x3], $0x4000, $0x38;
	[tilespmem:$0x1DC00] =	vst v63  }
0x30: {  	_ =	swait.ge [sflag:s20], $0x4000  }
0x31: {  	[sflag:s20] =	ssyncset.done $0x0  }
0x32: {  	[sflag:s20] =	ssyncadd.s32 $0xFFFFC000  }
0x33: {  	[spmem:s10] =	stream.linear.scatter [tilespmem:s19], [sflag:$0x3], $0x4000, $0x38;
	[tilespmem:$0x1DC00] =	vst v63  }
0x34: {  	_ =	swait.ge [sflag:s20], $0x4000  }
0x35: {  	[sflag:s20] =	ssyncset.done $0x0  }
0x36: {  	[sflag:s20] =	ssyncadd.s32 $0xFFFFC000  }
0x37: {  	[spmem:s11] =	stream.linear.scatter [tilespmem:s19], [sflag:$0x3], $0x3C00, $0x38;
	[tilespmem:$0x1DC00] =	vst v63  }
0x38: {  	_ =	swait.ge [sflag:s20], $0x3C00  }
0x39: {  	[sflag:s20] =	ssyncset.done $0x0  }
0x3a: {  	[sflag:s20] =	ssyncadd.s32 $0xFFFFC400  }
0x3b: {  	s30 =	simm.s32 $0x0;
	s31 =	simm.s32 $0x0;
	[bflag:$0x0] =	sbarrier.arrive $0xFFFF  }
.LBB2_4:
0x3c: {  	s0 =	sshll.u32 s31, $0xC  }
0x3d: {  	s0 =	sadd.s32 s0, s12  }
0x3e: {  	s0 =	sshrl.u32 s0, $0x3  }
0x3f: {  	s3 =	sadd.s32 s5, s0  }
0x40: {  	[tilespmem:s30], [sflag:$0x3] =	stream.linear.gather [hbm4b:s3+s30], $0x1000, $0x38;
	[tilespmem:$0x1DC00] =	vst v63  }
0x41: {  	_ =	swait.ge [sflag:s20], $0x1000  }
0x42: {  	[sflag:s20] =	ssyncset.done $0x0  }
0x43: {  	s0 =	sadd.s32 s6, s0;
	[sflag:s20] =	ssyncadd.s32 $0xFFFFF000  }
0x44: {  	[tilespmem:s21], [sflag:$0x3] =	stream.linear.gather [hbm4b:s0+s30], $0x1000, $0x38;
	[tilespmem:$0x1DC00] =	vst v63  }
0x45: {  	_ =	swait.ge [sflag:s20], $0x1000  }
0x46: {  	[sflag:s20] =	ssyncset.done $0x0  }
0x47: {  	[sflag:s20] =	ssyncadd.s32 $0xFFFFF000  }
0x48: {  	[tilespmem:s19], [sflag:$0x1] =	stream.indirect.gather [hbm4b:s1+s22], $0x80, s30, s22, $0xb8;
	[tilespmem:$0x1DC00] =	vst v63  }
0x49: {  	_ = 	snop  }
0x4a: {  	[tilespmem:s23], [sflag:$0x2] =	stream.indirect.gather [hbm4b:s1+s22], $0x80, s22, s22, $0xb8;
	[tilespmem:$0x1DC00] =	vst v63  }
0x4b: {  	_ =	swait.ge [sflag:s24], $0x4000  }
0x4c: {  	[sflag:s24] =	ssyncset.done $0x0  }
0x4d: {  	s13 =	simm.s32 $0x1000;
	[sflag:s24] =	ssyncadd.s32 $0xFFFFC000  }
0x4e: {  	[spmem:s2] =	stream.indirect.scatter.add.f32 [tilespmem:s19], [sflag:$0x3], $0x80, s13, s22, $0xb8;
	[tilespmem:$0x1DC00] =	vst v63  }
0x4f: {  	_ =	swait.ge [sflag:s20], $0x4000  }
0x50: {  	[sflag:s20] =	ssyncset.done $0x0  }
0x51: {  	s3 =	simm.s32 $0x100;
	[sflag:s20] =	ssyncadd.s32 $0xFFFFC000  }
0x52: {  	[tilespmem:s19], [sflag:$0x1] =	stream.indirect.gather [hbm4b:s1+s22], $0x80, s3, s22, $0xb8;
	[tilespmem:$0x1DC00] =	vst v63  }
0x53: {  	_ =	swait.ge [sflag:s25], $0x4000  }
0x54: {  	[sflag:s25] =	ssyncset.done $0x0  }
0x55: {  	s13 =	simm.s32 $0x1080;
	[sflag:s25] =	ssyncadd.s32 $0xFFFFC000  }
0x56: {  	[spmem:s2] =	stream.indirect.scatter.add.f32 [tilespmem:s23], [sflag:$0x3], $0x80, s13, s22, $0xb8;
	[tilespmem:$0x1DC00] =	vst v63  }
0x57: {  	_ =	swait.ge [sflag:s20], $0x4000  }
0x58: {  	[sflag:s20] =	ssyncset.done $0x0  }
0x59: {  	s0 =	simm.s32 $0x400;
	s3 =	simm.s32 $0x180;
	[sflag:s20] =	ssyncadd.s32 $0xFFFFC000  }
.LBB2_5:
0x5a: {  	[tilespmem:s23], [sflag:$0x2] =	stream.indirect.gather [hbm4b:s1+s22], $0x80, s3, s22, $0xb8;
	[tilespmem:$0x1DC00] =	vst v63  }
0x5b: {  	s3 =	smov.u32 s0  }
0x5c: {  	p1 =	sne.s32 s0, $0x3800;
	s0 =	sadd.s32 $0x400, s0;
	_ =	swait.ge [sflag:s24], $0x4000  }
0x5d: {  	s3 =	sshra.s32 s3, $0x2;
	[sflag:s24] =	ssyncset.done $0x0  }
0x5e: {  	s13 =	sadd.s32 $0x1000, s3;
	[sflag:s24] =	ssyncadd.s32 $0xFFFFC000  }
0x5f: {  	[spmem:s2] =	stream.indirect.scatter.add.f32 [tilespmem:s19], [sflag:$0x3], $0x80, s13, s22, $0xb8;
	[tilespmem:$0x1DC00] =	vst v63  }
0x60: {  	_ =	swait.ge [sflag:s20], $0x4000  }
0x61: {  	[sflag:s20] =	ssyncset.done $0x0  }
0x62: {  	s13 =	sadd.s32 $0x100, s3;
	[sflag:s20] =	ssyncadd.s32 $0xFFFFC000  }
0x63: {  	[tilespmem:s19], [sflag:$0x1] =	stream.indirect.gather [hbm4b:s1+s22], $0x80, s13, s22, $0xb8;
	[tilespmem:$0x1DC00] =	vst v63  }
0x64: {  	_ =	swait.ge [sflag:s25], $0x4000  }
0x65: {  	[sflag:s25] =	ssyncset.done $0x0  }
.Ltmp1:
0x66: {  	s13 =	sadd.s32 $0x1080, s3;
	[sflag:s25] =	ssyncadd.s32 $0xFFFFC000;
	(pc) =	sbr.rel @p1 .LBB2_5-.Ltmp1, $4  }
0x67: {  	[spmem:s2] =	stream.indirect.scatter.add.f32 [tilespmem:s23], [sflag:$0x3], $0x80, s13, s22, $0xb8;
	[tilespmem:$0x1DC00] =	vst v63  }
0x68: {  	_ =	swait.ge [sflag:s20], $0x4000  }
0x69: {  	[sflag:s20] =	ssyncset.done $0x0  }
0x6a: {  	s3 =	sadd.s32 $0x180, s3;
	[sflag:s20] =	ssyncadd.s32 $0xFFFFC000  }
0x6b: {  	[tilespmem:s23], [sflag:$0x2] =	stream.indirect.gather [hbm4b:s1+s22], $0x80, s3, s22, $0xb8;
	[tilespmem:$0x1DC00] =	vst v63  }
0x6c: {  	_ =	swait.ge [sflag:s24], $0x4000  }
0x6d: {  	[sflag:s24] =	ssyncset.done $0x0  }
0x6e: {  	[sflag:s24] =	ssyncadd.s32 $0xFFFFC000  }
0x6f: {  	[spmem:s2] =	stream.indirect.scatter.add.f32 [tilespmem:s19], [sflag:$0x3], $0x80, s26, s22, $0xb8;
	[tilespmem:$0x1DC00] =	vst v63  }
0x70: {  	_ =	swait.ge [sflag:s20], $0x4000  }
0x71: {  	[sflag:s20] =	ssyncset.done $0x0  }
0x72: {  	[sflag:s20] =	ssyncadd.s32 $0xFFFFC000  }
0x73: {  	p1 =	slt.u32 @!p0 s31, $0x3;
	_ =	swait.ge [sflag:s25], $0x4000  }
0x74: {  	p1 =	por p0, !p1;
	[sflag:s25] =	ssyncset.done $0x0  }
.Ltmp2:
0x75: {  	[sflag:s25] =	ssyncadd.s32 $0xFFFFC000;
	(pc) =	sbr.rel @!p1 .LBB2_4-.Ltmp2, $4  }
0x76: {  	[spmem:s2] =	stream.indirect.scatter.add.f32 [tilespmem:s23], [sflag:$0x3], $0x80, s28, s22, $0xb8;
	[tilespmem:$0x1DC00] =	vst v63  }
0x77: {  	_ =	swait.ge [sflag:s20], $0x4000  }
0x78: {  	[sflag:s20] =	ssyncset.done $0x0  }
0x79: {  	s31 =	sadd.s32 $0x1, s31;
	[sflag:s20] =	ssyncadd.s32 $0xFFFFC000  }
0x7a: {  	[bflag:$0x0] =	sbarrier.arrive $0xFFFF  }
0x7b: {  	[tilespmem:s19], [sflag:$0x3] =	stream.linear.gather [spmem:s7], $0x4000, $0x38;
	[tilespmem:$0x1DC00] =	vst v63  }
0x7c: {  	_ =	swait.ge [sflag:s20], $0x4000  }
0x7d: {  	[sflag:s20] =	ssyncset.done $0x0  }
0x7e: {  	s0 =	rddreg [dreg:$0x4];
	[sflag:s20] =	ssyncadd.s32 $0xFFFFC000  }
0x7f: {  	[hbm4b:s0+s4] =	stream.linear.scatter [tilespmem:s19], [sflag:$0x3], $0x4000, $0x38;
	[tilespmem:$0x1DC00] =	vst v63  }
0x80: {  	_ =	swait.ge [sflag:s20], $0x4000  }
0x81: {  	[sflag:s20] =	ssyncset.done $0x0  }
0x82: {  	[sflag:s20] =	ssyncadd.s32 $0xFFFFC000  }
0x83: {  	[tilespmem:s19], [sflag:$0x3] =	stream.linear.gather [spmem:s8], $0x4000, $0x38;
	[tilespmem:$0x1DC00] =	vst v63  }
0x84: {  	_ =	swait.ge [sflag:s20], $0x4000  }
0x85: {  	[sflag:s20] =	ssyncset.done $0x0  }
0x86: {  	[sflag:s20] =	ssyncadd.s32 $0xFFFFC000  }
0x87: {  	[hbm4b:s14+s4] =	stream.linear.scatter [tilespmem:s19], [sflag:$0x3], $0x4000, $0x38;
	[tilespmem:$0x1DC00] =	vst v63  }
0x88: {  	_ =	swait.ge [sflag:s20], $0x4000  }
0x89: {  	[sflag:s20] =	ssyncset.done $0x0  }
0x8a: {  	[sflag:s20] =	ssyncadd.s32 $0xFFFFC000  }
0x8b: {  	[tilespmem:s19], [sflag:$0x3] =	stream.linear.gather [spmem:s9], $0x4000, $0x38;
	[tilespmem:$0x1DC00] =	vst v63  }
0x8c: {  	_ =	swait.ge [sflag:s20], $0x4000  }
0x8d: {  	[sflag:s20] =	ssyncset.done $0x0  }
0x8e: {  	[sflag:s20] =	ssyncadd.s32 $0xFFFFC000  }
0x8f: {  	[hbm4b:s15+s4] =	stream.linear.scatter [tilespmem:s19], [sflag:$0x3], $0x4000, $0x38;
	[tilespmem:$0x1DC00] =	vst v63  }
0x90: {  	_ =	swait.ge [sflag:s20], $0x4000  }
0x91: {  	[sflag:s20] =	ssyncset.done $0x0  }
0x92: {  	[sflag:s20] =	ssyncadd.s32 $0xFFFFC000  }
0x93: {  	[tilespmem:s19], [sflag:$0x3] =	stream.linear.gather [spmem:s10], $0x4000, $0x38;
	[tilespmem:$0x1DC00] =	vst v63  }
0x94: {  	_ =	swait.ge [sflag:s20], $0x4000  }
0x95: {  	[sflag:s20] =	ssyncset.done $0x0  }
0x96: {  	[sflag:s20] =	ssyncadd.s32 $0xFFFFC000  }
0x97: {  	[hbm4b:s16+s4] =	stream.linear.scatter [tilespmem:s19], [sflag:$0x3], $0x4000, $0x38;
	[tilespmem:$0x1DC00] =	vst v63  }
0x98: {  	_ =	swait.ge [sflag:s20], $0x4000  }
0x99: {  	[sflag:s20] =	ssyncset.done $0x0  }
0x9a: {  	[sflag:s20] =	ssyncadd.s32 $0xFFFFC000  }
0x9b: {  	[tilespmem:s19], [sflag:$0x3] =	stream.linear.gather [spmem:s11], $0x3C00, $0x38;
	[tilespmem:$0x1DC00] =	vst v63  }
0x9c: {  	s29 =	sadd.s32 $0x1, s29;
	_ =	swait.ge [sflag:s20], $0x3C00  }
0x9d: {  	p1 =	sne.s32 s29, s18;
	[sflag:s20] =	ssyncset.done $0x0  }
.Ltmp3:
0x9e: {  	[sflag:s20] =	ssyncadd.s32 $0xFFFFC400;
	(pc) =	sbr.rel @p1 .LBB2_1-.Ltmp3, $4  }
0x9f: {  	[hbm4b:s17+s4] =	stream.linear.scatter [tilespmem:s19], [sflag:$0x3], $0x3C00, $0x38;
	[tilespmem:$0x1DC00] =	vst v63  }
0xa0: {  	_ =	swait.ge [sflag:s20], $0x3C00  }
0xa1: {  	[sflag:s20] =	ssyncset.done $0x0  }
0xa2: {  	[sflag:s20] =	ssyncadd.s32 $0xFFFFC400  }
0xa3: {  	_ =	sfence.sel $0x180000  }
0xa4: {  	[bflag:$0x0] =	sbarrier.arrive $0xFFFF  }
0xa5: {  	_ =	strace $0x90000047  }
0xa6: {  	s0 =	stileid.u32;
	[bflag:$0x2] =	sbarrier.arrive $0xFFFF  }
0xa7: {  	p0 =	sne.s32 s0, $0x0;
	s0 =	rddreg [dreg:$0x3]  }
0xa8: {  	s0 =	sadd.s32 @!p0 $0x100000, s0  }
0xa9: {  	[sflag:s0] =	ssyncadd.tile.s32 @!p0 $0x1;
	_ =	shalt  }
.Lfunc_end2:
_tile_overlayer_lowered:
.L_overlay_start_2:
0xaa: {  	(tag) =	ssettag $0x2  }
0xab: {  	s0 =	rddreg [dreg:$0x0];
	s2 =	stileid.u32  }
0xac: {  	s1 =	rddreg [dreg:$0x1];
	p0 =	sne.s32 s2, $0x0  }
0xad: {  	s3 =	rddreg [dreg:$0x2];
	[bflag:$0x3] =	sbarrier.arrive $0xFFFF;
	s2 =	simm.s32 @!p0 $0x1C03  }
0xae: {  	[timem:s3], [sflag:s2] =	dma.local @!p0 [hbm:s0], s1  }
0xaf: {  	s0 =	simm.s32 @!p0 $0x3  }
0xb0: {  	_ =	swait.ge @!p0 [sflag:s0], s1  }
0xb1: {  	s1 =	ssub.s32 @!p0 $0x0, s1;
	[sflag:s0] =	ssyncset.done @!p0 $0x0  }
0xb2: {  	[sflag:s0] =	ssyncadd.s32 @!p0 s1  }
0xb3: {  	[bflag:$0x3] =	sbarrier.arrive $0xFFFF  }
0xb4: {  	_ =	shalt  }

</sc_bundles>
